<compile_context>
chip_gen: v7x
topology: tpu7x:2x2x1
jax: 0.10.2.dev20260603
libtpu: 0.0.44.dev20260713+nightly
codegen_flags: <defaults>
</compile_context>

<pallas_src>
import functools

import jax
import jax.numpy as jnp
from jax import lax
from jax.experimental import pallas as pl
from jax.experimental.pallas import tpu as pltpu
from jax.experimental.pallas import tpu_sc as plsc

N = 10000
E = 320000
D = 128
H = 128

NUM_CORES = 2
NUM_TILES = 16

EDGES_PER_TILE = E // NUM_TILES
CHUNK = 100
N_CHUNKS = 200
EDGES_PT_PAD = N_CHUNKS * CHUNK
PAD_PT = EDGES_PT_PAD - EDGES_PER_TILE
IDXBLK = 40
N_BLOCKS = N_CHUNKS // IDXBLK
NBUF = 3
N_QUADS = IDXBLK // NBUF
TAIL = IDXBLK - N_QUADS * NBUF
ROW_CHUNK = 80
N_ROW_CHUNKS = N // ROW_CHUNK
ROW_ITERS = -(-N_ROW_CHUNKS // NUM_TILES)


def _sc_pool_body(h_hbm, src_hbm, dst_hbm, out_hbm, acc, sidx, didx, *bufs):
    rows = bufs[:NBUF]
    sems = bufs[NBUF:2 * NBUF]
    ssems = bufs[2 * NBUF:]
    c = lax.axis_index("c")
    s = lax.axis_index("s")
    cN = c * N
    stage = rows[0].at[0:ROW_CHUNK]

    def seed_step(j, carry):
        cid = j * NUM_TILES + s

        @pl.when(cid < N_ROW_CHUNKS)
        def _():
            r = cid * ROW_CHUNK
            pltpu.sync_copy(h_hbm.at[pl.ds(cN + r, ROW_CHUNK)],
                            acc.at[pl.ds(r, ROW_CHUNK)])

        return carry

    lax.fori_loop(0, ROW_ITERS, seed_step, 0)
    plsc.subcore_barrier()

    def block_body(b, carry):
        pltpu.sync_copy(src_hbm.at[c, s, pl.ds(b * IDXBLK, IDXBLK)], sidx)
        pltpu.sync_copy(dst_hbm.at[s, pl.ds(b * IDXBLK, IDXBLK)], didx)
        for u in range(NBUF - 1):
            pltpu.async_copy(h_hbm.at[sidx.at[u]], rows[u], sems[u])

        def edge_quad(i, inner):
            for u in range(NBUF):
                j = i * NBUF + u
                nxt = (u + NBUF - 1) % NBUF

                @pl.when(jnp.logical_and(j + NBUF - 1 < IDXBLK, j >= 1))
                def _():
                    pltpu.make_async_copy(rows[nxt], acc.at[didx.at[j]],
                                          ssems[nxt]).wait()

                @pl.when(j + NBUF - 1 < IDXBLK)
                def _():
                    pltpu.async_copy(h_hbm.at[sidx.at[j + NBUF - 1]],
                                     rows[nxt], sems[nxt])

                pltpu.make_async_copy(h_hbm.at[sidx.at[j]], rows[u],
                                      sems[u]).wait()
                pltpu.async_copy(rows[u], acc.at[didx.at[j]], ssems[u],
                                 add=True)
            return inner

        lax.fori_loop(0, N_QUADS, edge_quad, 0)
        for t in range(TAIL):
            j = N_QUADS * NBUF + t
            u = j % NBUF
            pltpu.make_async_copy(h_hbm.at[sidx.at[j]], rows[u],
                                  sems[u]).wait()
            pltpu.async_copy(rows[u], acc.at[didx.at[j]], ssems[u],
                             add=True)
        for u in range(NBUF):
            pltpu.make_async_copy(rows[u], acc.at[didx.at[u]],
                                  ssems[u]).wait()
        return carry

    lax.fori_loop(0, N_BLOCKS, block_body, 0)
    plsc.subcore_barrier()

    def out_step(j, carry):
        cid = j * NUM_TILES + s

        @pl.when(cid < N_ROW_CHUNKS)
        def _():
            r = cid * ROW_CHUNK
            pltpu.sync_copy(acc.at[pl.ds(r, ROW_CHUNK)],
                            out_hbm.at[pl.ds(cN + r, ROW_CHUNK)])

        return carry

    lax.fori_loop(0, ROW_ITERS, out_step, 0)


@functools.cache
def _make_sc_pool():
    return pl.kernel(
        _sc_pool_body,
        out_type=jax.ShapeDtypeStruct((2 * N, H), jnp.float32),
        mesh=plsc.VectorSubcoreMesh(core_axis_name="c", subcore_axis_name="s"),
        scratch_types=[
            pltpu.VMEM_SHARED((N + 64, H), jnp.float32),
            pltpu.VMEM((IDXBLK, CHUNK), jnp.int32),
            pltpu.VMEM((IDXBLK, CHUNK), jnp.int32),
        ] + [pltpu.VMEM((CHUNK, H), jnp.float32)] * NBUF
          + [pltpu.SemaphoreType.DMA] * (2 * NBUF),
    )


def _bn_relu(y, g, b):
    m = jnp.mean(y, axis=0, keepdims=True)
    v = jnp.mean((y - m) * (y - m), axis=0, keepdims=True)
    return jnp.maximum(g * (y - m) * lax.rsqrt(v + 1e-5) + b, 0.0)


def _dense_body(x_ref, w1_ref, b1_ref, g1_ref, be1_ref,
                w2_ref, b2_ref, g2_ref, be2_ref, out_ref):
    w1 = w1_ref[...]
    w2 = w2_ref[...]
    b1 = b1_ref[...]
    g1 = g1_ref[...]
    be1 = be1_ref[...]
    b2 = b2_ref[...]
    g2 = g2_ref[...]
    be2 = be2_ref[...]
    for p in range(2):
        x = x_ref[p * N:(p + 1) * N, :]
        y = jnp.dot(x, w1, preferred_element_type=jnp.float32,
                    precision=lax.Precision.HIGHEST) + b1
        h1 = _bn_relu(y, g1, be1)
        y2 = jnp.dot(h1, w2, preferred_element_type=jnp.float32,
                     precision=lax.Precision.HIGHEST) + b2
        out_ref[p * N:(p + 1) * N, :] = _bn_relu(y2, g2, be2)


def _dense_layer(x, w1, b1, g1, be1, w2, b2, g2, be2):
    return pl.pallas_call(
        _dense_body,
        out_shape=jax.ShapeDtypeStruct((2 * N, H), jnp.float32),
    )(x, w1, b1.reshape(1, H), g1.reshape(1, H), be1.reshape(1, H),
      w2, b2.reshape(1, H), g2.reshape(1, H), be2.reshape(1, H))


def _bce(logit, label):
    return (jnp.maximum(logit, 0.0) - logit * label
            + jnp.log1p(jnp.exp(-jnp.abs(logit))))


def _dense2_loss_body(x_ref, w1_ref, b1_ref, g1_ref, be1_ref,
                      w2_ref, b2_ref, g2_ref, be2_ref,
                      msk_ref, sb1_ref, sb2_ref, lbl1_ref, lbl2_ref,
                      dw_ref, db_ref, out_ref):
    w1 = w1_ref[...]
    w2 = w2_ref[...]
    b1 = b1_ref[...]
    g1 = g1_ref[...]
    be1 = be1_ref[...]
    b2 = b2_ref[...]
    g2 = g2_ref[...]
    be2 = be2_ref[...]
    def pass_h(p):
        x = x_ref[p * N:(p + 1) * N, :]
        y = jnp.dot(x, w1, preferred_element_type=jnp.float32,
                    precision=lax.Precision.HIGHEST) + b1
        hh = _bn_relu(y, g1, be1)
        y2 = jnp.dot(hh, w2, preferred_element_type=jnp.float32,
                     precision=lax.Precision.HIGHEST) + b2
        return _bn_relu(y2, g2, be2)

    db = db_ref[0, 0]
    msk = msk_ref[...]
    h1 = pass_h(0)
    c = jnp.dot(msk, h1, preferred_element_type=jnp.float32,
                precision=lax.Precision.HIGHEST) / jnp.sum(msk)
    c = 1.0 / (1.0 + jnp.exp(-c))
    cw = jnp.dot(c, dw_ref[...], preferred_element_type=jnp.float32,
                 precision=lax.Precision.HIGHEST)
    s1 = jnp.sum(h1 * cw, axis=1, keepdims=True) + db + sb1_ref[...]
    tot = jnp.sum(_bce(s1, lbl1_ref[...]))
    h2 = pass_h(1)
    s2 = jnp.sum(h2 * cw, axis=1, keepdims=True) + db + sb2_ref[...]
    tot = tot + jnp.sum(_bce(s2, lbl2_ref[...]))
    out_ref[...] = jnp.reshape(tot / (2.0 * N), (1, 1))


def _dense2_loss(x, w1, b1, g1, be1, w2, b2, g2, be2,
                 msk, sb1, sb2, lbl, disc_w, disc_b):
    out = pl.pallas_call(
        _dense2_loss_body,
        out_shape=jax.ShapeDtypeStruct((1, 1), jnp.float32),
    )(x, w1, b1.reshape(1, H), g1.reshape(1, H), be1.reshape(1, H),
      w2, b2.reshape(1, H), g2.reshape(1, H), be2.reshape(1, H),
      msk, sb1.reshape(N, 1), sb2.reshape(N, 1),
      lbl[:, :N].reshape(N, 1), lbl[:, N:].reshape(N, 1),
      disc_w, disc_b.reshape(1, 1))
    return out.reshape(())


def kernel(seq1, seq2, adj, msk, samp_bias1, samp_bias2, lbl,
           gin0_W1, gin0_b1, gin0_g1, gin0_be1, gin0_W2, gin0_b2, gin0_g2, gin0_be2,
           gin1_W1, gin1_b1, gin1_g1, gin1_be1, gin1_W2, gin1_b2, gin1_g2, gin1_be2,
           disc_W, disc_b):
    src = adj[0]
    dst = adj[1]
    src_r = jnp.concatenate(
        [src.reshape(NUM_TILES, EDGES_PER_TILE),
         jnp.zeros((NUM_TILES, PAD_PT), jnp.int32)], axis=1)
    junk = N + (jnp.arange(PAD_PT, dtype=jnp.int32) % 64)
    dst_r = jnp.concatenate(
        [dst.reshape(NUM_TILES, EDGES_PER_TILE),
         jnp.broadcast_to(junk, (NUM_TILES, PAD_PT))], axis=1)
    src2 = jnp.stack([src_r, src_r + N]).reshape(2, NUM_TILES, N_CHUNKS, CHUNK)
    dst2 = dst_r.reshape(NUM_TILES, N_CHUNKS, CHUNK)
    h = jnp.concatenate([seq1, seq2], axis=0)
    layers = (
        (gin0_W1, gin0_b1, gin0_g1, gin0_be1, gin0_W2, gin0_b2, gin0_g2, gin0_be2),
        (gin1_W1, gin1_b1, gin1_g1, gin1_be1, gin1_W2, gin1_b2, gin1_g2, gin1_be2),
    )
    sc_pool = _make_sc_pool()
    pooled = sc_pool(h, src2, dst2)
    h = _dense_layer(pooled, *layers[0])
    pooled = sc_pool(h, src2, dst2)
    return _dense2_loss(pooled, *layers[1],
                        msk, samp_bias1, samp_bias2, lbl, disc_W, disc_b)

# --- scband reference (transcript-rebuilt; emitter-appended) ---
"""Pipeline reference for scband-dgi-23158463660700 (READ-ONLY COPY).

The authoritative reference and input builder live on the scoring server;
editing this copy changes nothing except your own understanding.
"""

import jax, jax.numpy as jnp
import numpy as np

N = 10000
E = 320000
D = 128
H = 128


def _bn(x, g, b):
    m = jnp.mean(x, axis=0, keepdims=True)
    v = jnp.var(x, axis=0, keepdims=True)
    return g * (x - m) * jax.lax.rsqrt(v + 1e-5) + b


def _gin(x, src, dst, layers):
    h = x
    for (W1, b1, g1, be1, W2, b2, g2, be2) in layers:
        agg = jax.ops.segment_sum(h[src], dst, num_segments=N)
        pooled = agg + h  # sum neighbor pooling + self
        h1 = jax.nn.relu(_bn(pooled @ W1 + b1, g1, be1))
        h = jax.nn.relu(_bn(h1 @ W2 + b2, g2, be2))
    return h


def setup_inputs(seed: int = 0):
    key = jax.random.key(seed)
    ks = jax.random.split(key, 16)
    inp = {}
    inp['seq1'] = jax.random.normal(ks[0], (N, D), dtype=jnp.float32)
    inp['seq2'] = jax.random.normal(ks[1], (N, D), dtype=jnp.float32)
    inp['adj'] = jax.random.randint(ks[2], (2, E), 0, N, dtype=jnp.int32)
    inp['msk'] = jnp.ones((1, N), dtype=jnp.float32)
    inp['samp_bias1'] = jnp.zeros((1, N), dtype=jnp.float32)
    inp['samp_bias2'] = jnp.zeros((1, N), dtype=jnp.float32)
    inp['lbl'] = jnp.concatenate([jnp.ones((1, N)), jnp.zeros((1, N))], axis=1).astype(jnp.float32)
    i = 3
    for l in range(2):
        din = D if l == 0 else H
        inp['gin%d_W1' % l] = (jax.random.normal(ks[i], (din, H), dtype=jnp.float32) * 0.1); i += 1
        inp['gin%d_b1' % l] = jnp.zeros((H,), dtype=jnp.float32)
        inp['gin%d_g1' % l] = jnp.ones((H,), dtype=jnp.float32)
        inp['gin%d_be1' % l] = jnp.zeros((H,), dtype=jnp.float32)
        inp['gin%d_W2' % l] = (jax.random.normal(ks[i], (H, H), dtype=jnp.float32) * 0.1); i += 1
        inp['gin%d_b2' % l] = jnp.zeros((H,), dtype=jnp.float32)
        inp['gin%d_g2' % l] = jnp.ones((H,), dtype=jnp.float32)
        inp['gin%d_be2' % l] = jnp.zeros((H,), dtype=jnp.float32)
    inp['disc_W'] = (jax.random.normal(ks[i], (H, H), dtype=jnp.float32) * 0.1)
    inp['disc_b'] = jnp.zeros((), dtype=jnp.float32)
    return inp


def reference(seq1, seq2, adj, msk, samp_bias1, samp_bias2, lbl,
              gin0_W1, gin0_b1, gin0_g1, gin0_be1, gin0_W2, gin0_b2, gin0_g2, gin0_be2,
              gin1_W1, gin1_b1, gin1_g1, gin1_be1, gin1_W2, gin1_b2, gin1_g2, gin1_be2,
              disc_W, disc_b):
    src, dst = adj[0], adj[1]
    layers = [
        (gin0_W1, gin0_b1, gin0_g1, gin0_be1, gin0_W2, gin0_b2, gin0_g2, gin0_be2),
        (gin1_W1, gin1_b1, gin1_g1, gin1_be1, gin1_W2, gin1_b2, gin1_g2, gin1_be2),
    ]
    h1 = _gin(seq1, src, dst, layers)[None]  # [1, N, H]
    c = jnp.sum(h1 * msk[..., None], axis=1) / jnp.sum(msk, axis=1, keepdims=True)  # AvgReadout
    c = jax.nn.sigmoid(c)
    h2 = _gin(seq2, src, dst, layers)[None]
    cW = c @ disc_W  # bilinear: h W c^T
    sc1 = jnp.sum(h1 * cW[:, None, :], axis=-1) + disc_b + samp_bias1
    sc2 = jnp.sum(h2 * cW[:, None, :], axis=-1) + disc_b + samp_bias2
    logits = jnp.concatenate([sc1, sc2], axis=1)  # [1, 2N]
    loss = jnp.mean(jnp.maximum(logits, 0.0) - logits * lbl + jnp.log1p(jnp.exp(-jnp.abs(logits))))
    return loss

if __name__ == "__main__":
    import jax
    _d = setup_inputs()
    print(jax.jit(kernel)(*tuple(_d.values())))

</pallas_src>

<mosaic_0001>
#map = affine_map<(d0, d1) -> (0, 0)>
#map1 = affine_map<(d0, d1) -> (0, 0, 0, 0)>
#map2 = affine_map<(d0, d1) -> (0, 0, 0)>
module attributes {stable_mosaic.version = 14 : i64} {
  func.func @_sc_pool_body(%arg0: i32, %arg1: i32, %arg2: memref<20000x128xf32, #tpu.memory_space<hbm>>, %arg3: memref<2x16x200x100xi32, #tpu.memory_space<hbm>>, %arg4: memref<16x200x100xi32, #tpu.memory_space<hbm>>, %arg5: memref<20000x128xf32, #tpu.memory_space<hbm>>, %arg6: memref<10064x128xf32, #tpu.memory_space<vmem_shared>>, %arg7: memref<40x100xi32, #tpu.memory_space<vmem>>, %arg8: memref<40x100xi32, #tpu.memory_space<vmem>>, %arg9: memref<100x128xf32, #tpu.memory_space<vmem>>, %arg10: memref<100x128xf32, #tpu.memory_space<vmem>>, %arg11: memref<100x128xf32, #tpu.memory_space<vmem>>, %arg12: memref<!tpu.dma_semaphore, #tpu.memory_space<semaphore_mem>>, %arg13: memref<!tpu.dma_semaphore, #tpu.memory_space<semaphore_mem>>, %arg14: memref<!tpu.dma_semaphore, #tpu.memory_space<semaphore_mem>>, %arg15: memref<!tpu.dma_semaphore, #tpu.memory_space<semaphore_mem>>, %arg16: memref<!tpu.dma_semaphore, #tpu.memory_space<semaphore_mem>>, %arg17: memref<!tpu.dma_semaphore, #tpu.memory_space<semaphore_mem>>) attributes {dimension_semantics = [#tpu.dimension_semantics<core_parallel>, #tpu.dimension_semantics<subcore_parallel>], iteration_bounds = array<i64: 2, 16>, scalar_prefetch = 0 : i64, scratch_operands = 12 : i64, tpu.core_type = #tpu.core_type<sc_vector_subcore>, window_params = [{transform_indices = #map}, {transform_indices = #map1}, {transform_indices = #map2}, {transform_indices = #map}]} {
    %mul3A = arith.constant 10000 : i32
    %mul3A_0 = arith.muli %arg0, %mul3A : i32
    %scan3A = arith.constant 0 : i32
    %scan3A_1 = arith.constant 0 : i32
    %scan3A_2 = arith.constant 8 : i32
    %scan3A_3 = arith.addi %scan3A_1, %scan3A_2 : i32
    %scan3A_4 = arith.constant 1 : i32
    scf.for %scan3A_19 = %scan3A_1 to %scan3A_3 step %scan3A_4  : i32 {
      %mul3A_20 = arith.constant 16 : i32
      %mul3A_21 = arith.muli %scan3A_19, %mul3A_20 : i32
      %add3A = arith.addi %mul3A_21, %arg1 : i32
      %lt3A = arith.constant 125 : i32
      %lt3A_22 = arith.cmpi slt, %add3A, %lt3A : i32
      %convert_element_type3A = arith.extui %lt3A_22 : i1 to i32
      %cond3A = arith.constant 0 : i32
      %cond3A_23 = arith.cmpi ne, %convert_element_type3A, %cond3A : i32
      scf.if %cond3A_23 {
        %mul3A_24 = arith.constant 80 : i32
        %mul3A_25 = arith.muli %add3A, %mul3A_24 : i32
        %add3A_26 = arith.addi %mul3A_0, %mul3A_25 : i32
        "tpu.region"() ({
          %run_scoped3A = tpu.sem_alloc : memref<!tpu.dma_semaphore, #tpu.memory_space<semaphore_mem>>
          %dma_start3A = arith.constant 0 : i32
          %dma_start3A_27 = tpu.memref_slice %arg6[%mul3A_25, %dma_start3A] : memref<10064x128xf32, #tpu.memory_space<vmem_shared>> -> memref<80x128xf32, #tpu.memory_space<vmem_shared>>
          %dma_start3A_28 = arith.constant 0 : i32
          %dma_start3A_29 = tpu.memref_slice %arg2[%add3A_26, %dma_start3A_28] : memref<20000x128xf32, #tpu.memory_space<hbm>> -> memref<80x128xf32, #tpu.memory_space<hbm>>
          tpu.enqueue_dma source(%dma_start3A_29 : memref<80x128xf32, #tpu.memory_space<hbm>>) target(%dma_start3A_27 : memref<80x128xf32, #tpu.memory_space<vmem_shared>>) target_semaphore(%run_scoped3A : memref<!tpu.dma_semaphore, #tpu.memory_space<semaphore_mem>>)
          %dma_wait3A = arith.constant 0 : i32
          %dma_wait3A_30 = tpu.memref_slice %arg6[%mul3A_25, %dma_wait3A] : memref<10064x128xf32, #tpu.memory_space<vmem_shared>> -> memref<80x128xf32, #tpu.memory_space<vmem_shared>>
          %dma_wait3A_31 = arith.constant 0 : i32
          %dma_wait3A_32 = tpu.memref_slice %arg2[%add3A_26, %dma_wait3A_31] : memref<20000x128xf32, #tpu.memory_space<hbm>> -> memref<80x128xf32, #tpu.memory_space<hbm>>
          tpu.wait_dma2 semaphore(%run_scoped3A : memref<!tpu.dma_semaphore, #tpu.memory_space<semaphore_mem>>) src(%dma_wait3A_32 : memref<80x128xf32, #tpu.memory_space<hbm>>) dst(%dma_wait3A_30 : memref<80x128xf32, #tpu.memory_space<vmem_shared>>)
          tpu.yield
        }) : () -> ()
      } else {
      }
    }
    %scan3A_5 = arith.constant 8 : i32
    %barrier3A = arith.constant 0 : index
    tpu.barrier barrier_id(%barrier3A)
    %scan3A_6 = arith.constant 0 : i32
    %scan3A_7 = arith.constant 0 : i32
    %scan3A_8 = arith.constant 5 : i32
    %scan3A_9 = arith.addi %scan3A_7, %scan3A_8 : i32
    %scan3A_10 = arith.constant 1 : i32
    scf.for %scan3A_19 = %scan3A_7 to %scan3A_9 step %scan3A_10  : i32 {
      %mul3A_20 = arith.constant 40 : i32
      %mul3A_21 = arith.muli %scan3A_19, %mul3A_20 : i32
      "tpu.region"() ({
        %run_scoped3A = tpu.sem_alloc : memref<!tpu.dma_semaphore, #tpu.memory_space<semaphore_mem>>
        %dma_start3A_77 = arith.constant 0 : i32
        %dma_start3A_78 = tpu.memref_slice %arg3[%arg0, %arg1, %mul3A_21, %dma_start3A_77] : memref<2x16x200x100xi32, #tpu.memory_space<hbm>> -> memref<1x1x40x100xi32, #tpu.memory_space<hbm>>
        %dma_start3A_79 = tpu.memref_squeeze %dma_start3A_78 : memref<1x1x40x100xi32, #tpu.memory_space<hbm>> -> memref<40x100xi32, #tpu.memory_space<hbm>>
        %dma_start3A_80 = arith.constant 0 : i32
        %dma_start3A_81 = tpu.memref_slice %arg3[%arg0, %arg1, %mul3A_21, %dma_start3A_80] : memref<2x16x200x100xi32, #tpu.memory_space<hbm>> -> memref<1x1x40x100xi32, #tpu.memory_space<hbm>>
        %dma_start3A_82 = tpu.memref_squeeze %dma_start3A_81 : memref<1x1x40x100xi32, #tpu.memory_space<hbm>> -> memref<40x100xi32, #tpu.memory_space<hbm>>
        tpu.enqueue_dma source(%dma_start3A_82 : memref<40x100xi32, #tpu.memory_space<hbm>>) target(%arg7 : memref<40x100xi32, #tpu.memory_space<vmem>>) target_semaphore(%run_scoped3A : memref<!tpu.dma_semaphore, #tpu.memory_space<semaphore_mem>>)
        %dma_wait3A_83 = arith.constant 0 : i32
        %dma_wait3A_84 = tpu.memref_slice %arg3[%arg0, %arg1, %mul3A_21, %dma_wait3A_83] : memref<2x16x200x100xi32, #tpu.memory_space<hbm>> -> memref<1x1x40x100xi32, #tpu.memory_space<hbm>>
        %dma_wait3A_85 = tpu.memref_squeeze %dma_wait3A_84 : memref<1x1x40x100xi32, #tpu.memory_space<hbm>> -> memref<40x100xi32, #tpu.memory_space<hbm>>
        %dma_wait3A_86 = arith.constant 0 : i32
        %dma_wait3A_87 = tpu.memref_slice %arg3[%arg0, %arg1, %mul3A_21, %dma_wait3A_86] : memref<2x16x200x100xi32, #tpu.memory_space<hbm>> -> memref<1x1x40x100xi32, #tpu.memory_space<hbm>>
        %dma_wait3A_88 = tpu.memref_squeeze %dma_wait3A_87 : memref<1x1x40x100xi32, #tpu.memory_space<hbm>> -> memref<40x100xi32, #tpu.memory_space<hbm>>
        tpu.wait_dma2 semaphore(%run_scoped3A : memref<!tpu.dma_semaphore, #tpu.memory_space<semaphore_mem>>) src(%dma_wait3A_88 : memref<40x100xi32, #tpu.memory_space<hbm>>) dst(%arg7 : memref<40x100xi32, #tpu.memory_space<vmem>>)
        tpu.yield
      }) : () -> ()
      %mul3A_22 = arith.constant 40 : i32
      %mul3A_23 = arith.muli %scan3A_19, %mul3A_22 : i32
      "tpu.region"() ({
        %run_scoped3A = tpu.sem_alloc : memref<!tpu.dma_semaphore, #tpu.memory_space<semaphore_mem>>
        %dma_start3A_77 = arith.constant 0 : i32
        %dma_start3A_78 = tpu.memref_slice %arg4[%arg1, %mul3A_23, %dma_start3A_77] : memref<16x200x100xi32, #tpu.memory_space<hbm>> -> memref<1x40x100xi32, #tpu.memory_space<hbm>>
        %dma_start3A_79 = tpu.memref_squeeze %dma_start3A_78 : memref<1x40x100xi32, #tpu.memory_space<hbm>> -> memref<40x100xi32, #tpu.memory_space<hbm>>
        %dma_start3A_80 = arith.constant 0 : i32
        %dma_start3A_81 = tpu.memref_slice %arg4[%arg1, %mul3A_23, %dma_start3A_80] : memref<16x200x100xi32, #tpu.memory_space<hbm>> -> memref<1x40x100xi32, #tpu.memory_space<hbm>>
        %dma_start3A_82 = tpu.memref_squeeze %dma_start3A_81 : memref<1x40x100xi32, #tpu.memory_space<hbm>> -> memref<40x100xi32, #tpu.memory_space<hbm>>
        tpu.enqueue_dma source(%dma_start3A_82 : memref<40x100xi32, #tpu.memory_space<hbm>>) target(%arg8 : memref<40x100xi32, #tpu.memory_space<vmem>>) target_semaphore(%run_scoped3A : memref<!tpu.dma_semaphore, #tpu.memory_space<semaphore_mem>>)
        %dma_wait3A_83 = arith.constant 0 : i32
        %dma_wait3A_84 = tpu.memref_slice %arg4[%arg1, %mul3A_23, %dma_wait3A_83] : memref<16x200x100xi32, #tpu.memory_space<hbm>> -> memref<1x40x100xi32, #tpu.memory_space<hbm>>
        %dma_wait3A_85 = tpu.memref_squeeze %dma_wait3A_84 : memref<1x40x100xi32, #tpu.memory_space<hbm>> -> memref<40x100xi32, #tpu.memory_space<hbm>>
        %dma_wait3A_86 = arith.constant 0 : i32
        %dma_wait3A_87 = tpu.memref_slice %arg4[%arg1, %mul3A_23, %dma_wait3A_86] : memref<16x200x100xi32, #tpu.memory_space<hbm>> -> memref<1x40x100xi32, #tpu.memory_space<hbm>>
        %dma_wait3A_88 = tpu.memref_squeeze %dma_wait3A_87 : memref<1x40x100xi32, #tpu.memory_space<hbm>> -> memref<40x100xi32, #tpu.memory_space<hbm>>
        tpu.wait_dma2 semaphore(%run_scoped3A : memref<!tpu.dma_semaphore, #tpu.memory_space<semaphore_mem>>) src(%dma_wait3A_88 : memref<40x100xi32, #tpu.memory_space<hbm>>) dst(%arg8 : memref<40x100xi32, #tpu.memory_space<vmem>>)
        tpu.yield
      }) : () -> ()
      %dma_start3A = arith.constant 0 : i32
      %dma_start3A_24 = arith.constant 0 : i32
      %dma_start3A_25 = tpu.memref_slice %arg7[%dma_start3A, %dma_start3A_24] : memref<40x100xi32, #tpu.memory_space<vmem>> -> memref<1x100xi32, #tpu.memory_space<vmem>>
      %dma_start3A_26 = tpu.memref_squeeze %dma_start3A_25 : memref<1x100xi32, #tpu.memory_space<vmem>> -> memref<100xi32, #tpu.memory_space<vmem>>
      %dma_start3A_27 = arith.constant 0 : i32
      %dma_start3A_28 = arith.constant 0 : i32
      %dma_start3A_29 = tpu.memref_slice %arg2[%dma_start3A_27, %dma_start3A_28] : memref<20000x128xf32, #tpu.memory_space<hbm>> -> memref<20000x128xf32, #tpu.memory_space<hbm>>
      tpu.enqueue_indirect_dma source(%dma_start3A_29 : memref<20000x128xf32, #tpu.memory_space<hbm>>) target(%arg9 : memref<100x128xf32, #tpu.memory_space<vmem>>) offsets(%dma_start3A_26 : memref<100xi32, #tpu.memory_space<vmem>>) semaphore(%arg12 : memref<!tpu.dma_semaphore, #tpu.memory_space<semaphore_mem>>)
      %dma_start3A_30 = arith.constant 1 : i32
      %dma_start3A_31 = arith.constant 0 : i32
      %dma_start3A_32 = tpu.memref_slice %arg7[%dma_start3A_30, %dma_start3A_31] : memref<40x100xi32, #tpu.memory_space<vmem>> -> memref<1x100xi32, #tpu.memory_space<vmem>>
      %dma_start3A_33 = tpu.memref_squeeze %dma_start3A_32 : memref<1x100xi32, #tpu.memory_space<vmem>> -> memref<100xi32, #tpu.memory_space<vmem>>
      %dma_start3A_34 = arith.constant 0 : i32
      %dma_start3A_35 = arith.constant 0 : i32
      %dma_start3A_36 = tpu.memref_slice %arg2[%dma_start3A_34, %dma_start3A_35] : memref<20000x128xf32, #tpu.memory_space<hbm>> -> memref<20000x128xf32, #tpu.memory_space<hbm>>
      tpu.enqueue_indirect_dma source(%dma_start3A_36 : memref<20000x128xf32, #tpu.memory_space<hbm>>) target(%arg10 : memref<100x128xf32, #tpu.memory_space<vmem>>) offsets(%dma_start3A_33 : memref<100xi32, #tpu.memory_space<vmem>>) semaphore(%arg13 : memref<!tpu.dma_semaphore, #tpu.memory_space<semaphore_mem>>)
      %scan3A_37 = arith.constant 0 : i32
      %scan3A_38 = arith.constant 0 : i32
      %scan3A_39 = arith.constant 13 : i32
      %scan3A_40 = arith.addi %scan3A_38, %scan3A_39 : i32
      %scan3A_41 = arith.constant 1 : i32
      scf.for %scan3A_77 = %scan3A_38 to %scan3A_40 step %scan3A_41  : i32 {
        %mul3A_78 = arith.constant 3 : i32
        %mul3A_79 = arith.muli %scan3A_77, %mul3A_78 : i32
        %add3A = arith.constant 0 : i32
        %add3A_80 = arith.addi %mul3A_79, %add3A : i32
        %add3A_81 = arith.constant 3 : i32
        %add3A_82 = arith.addi %add3A_80, %add3A_81 : i32
        %sub3A = arith.constant 1 : i32
        %sub3A_83 = arith.subi %add3A_82, %sub3A : i32
        %lt3A = arith.constant 40 : i32
        %lt3A_84 = arith.cmpi slt, %sub3A_83, %lt3A : i32
        %ge3A = arith.constant 1 : i32
        %ge3A_85 = arith.cmpi sge, %add3A_80, %ge3A : i32
        %and3A = arith.andi %lt3A_84, %ge3A_85 : i1
        %convert_element_type3A = arith.extui %and3A : i1 to i32
        %cond3A = arith.constant 0 : i32
        %cond3A_86 = arith.cmpi ne, %convert_element_type3A, %cond3A : i32
        scf.if %cond3A_86 {
          %dma_wait3A_182 = arith.constant 0 : i32
          %dma_wait3A_183 = tpu.memref_slice %arg8[%add3A_80, %dma_wait3A_182] : memref<40x100xi32, #tpu.memory_space<vmem>> -> memref<1x100xi32, #tpu.memory_space<vmem>>
          %dma_wait3A_184 = tpu.memref_squeeze %dma_wait3A_183 : memref<1x100xi32, #tpu.memory_space<vmem>> -> memref<100xi32, #tpu.memory_space<vmem>>
          %dma_wait3A_185 = arith.constant 0 : i32
          %dma_wait3A_186 = arith.constant 0 : i32
          %dma_wait3A_187 = tpu.memref_slice %arg6[%dma_wait3A_185, %dma_wait3A_186] : memref<10064x128xf32, #tpu.memory_space<vmem_shared>> -> memref<10064x128xf32, #tpu.memory_space<vmem_shared>>
          tpu.wait_indirect_dma semaphore(%arg17 : memref<!tpu.dma_semaphore, #tpu.memory_space<semaphore_mem>>) src(%arg11 : memref<100x128xf32, #tpu.memory_space<vmem>>) dst(%dma_wait3A_187 : memref<10064x128xf32, #tpu.memory_space<vmem_shared>>)
        } else {
        }
        %add3A_87 = arith.constant 3 : i32
        %add3A_88 = arith.addi %add3A_80, %add3A_87 : i32
        %sub3A_89 = arith.constant 1 : i32
        %sub3A_90 = arith.subi %add3A_88, %sub3A_89 : i32
        %lt3A_91 = arith.constant 40 : i32
        %lt3A_92 = arith.cmpi slt, %sub3A_90, %lt3A_91 : i32
        %convert_element_type3A_93 = arith.extui %lt3A_92 : i1 to i32
        %cond3A_94 = arith.constant 0 : i32
        %cond3A_95 = arith.cmpi ne, %convert_element_type3A_93, %cond3A_94 : i32
        scf.if %cond3A_95 {
          %add3A_182 = arith.constant 3 : i32
          %add3A_183 = arith.addi %add3A_80, %add3A_182 : i32
          %sub3A_184 = arith.constant 1 : i32
          %sub3A_185 = arith.subi %add3A_183, %sub3A_184 : i32
          %dma_start3A_186 = arith.constant 0 : i32
          %dma_start3A_187 = tpu.memref_slice %arg7[%sub3A_185, %dma_start3A_186] : memref<40x100xi32, #tpu.memory_space<vmem>> -> memref<1x100xi32, #tpu.memory_space<vmem>>
          %dma_start3A_188 = tpu.memref_squeeze %dma_start3A_187 : memref<1x100xi32, #tpu.memory_space<vmem>> -> memref<100xi32, #tpu.memory_space<vmem>>
          %dma_start3A_189 = arith.constant 0 : i32
          %dma_start3A_190 = arith.constant 0 : i32
          %dma_start3A_191 = tpu.memref_slice %arg2[%dma_start3A_189, %dma_start3A_190] : memref<20000x128xf32, #tpu.memory_space<hbm>> -> memref<20000x128xf32, #tpu.memory_space<hbm>>
          tpu.enqueue_indirect_dma source(%dma_start3A_191 : memref<20000x128xf32, #tpu.memory_space<hbm>>) target(%arg11 : memref<100x128xf32, #tpu.memory_space<vmem>>) offsets(%dma_start3A_188 : memref<100xi32, #tpu.memory_space<vmem>>) semaphore(%arg14 : memref<!tpu.dma_semaphore, #tpu.memory_space<semaphore_mem>>)
        } else {
        }
        %dma_wait3A_96 = arith.constant 0 : i32
        %dma_wait3A_97 = tpu.memref_slice %arg7[%add3A_80, %dma_wait3A_96] : memref<40x100xi32, #tpu.memory_space<vmem>> -> memref<1x100xi32, #tpu.memory_space<vmem>>
        %dma_wait3A_98 = tpu.memref_squeeze %dma_wait3A_97 : memref<1x100xi32, #tpu.memory_space<vmem>> -> memref<100xi32, #tpu.memory_space<vmem>>
        %dma_wait3A_99 = arith.constant 0 : i32
        %dma_wait3A_100 = arith.constant 0 : i32
        %dma_wait3A_101 = tpu.memref_slice %arg2[%dma_wait3A_99, %dma_wait3A_100] : memref<20000x128xf32, #tpu.memory_space<hbm>> -> memref<20000x128xf32, #tpu.memory_space<hbm>>
        tpu.wait_indirect_dma semaphore(%arg12 : memref<!tpu.dma_semaphore, #tpu.memory_space<semaphore_mem>>) src(%dma_wait3A_101 : memref<20000x128xf32, #tpu.memory_space<hbm>>) dst(%arg9 : memref<100x128xf32, #tpu.memory_space<vmem>>)
        %dma_start3A_102 = arith.constant 0 : i32
        %dma_start3A_103 = tpu.memref_slice %arg8[%add3A_80, %dma_start3A_102] : memref<40x100xi32, #tpu.memory_space<vmem>> -> memref<1x100xi32, #tpu.memory_space<vmem>>
        %dma_start3A_104 = tpu.memref_squeeze %dma_start3A_103 : memref<1x100xi32, #tpu.memory_space<vmem>> -> memref<100xi32, #tpu.memory_space<vmem>>
        %dma_start3A_105 = arith.constant 0 : i32
        %dma_start3A_106 = arith.constant 0 : i32
        %dma_start3A_107 = tpu.memref_slice %arg6[%dma_start3A_105, %dma_start3A_106] : memref<10064x128xf32, #tpu.memory_space<vmem_shared>> -> memref<10064x128xf32, #tpu.memory_space<vmem_shared>>
        tpu.enqueue_indirect_dma source(%arg9 : memref<100x128xf32, #tpu.memory_space<vmem>>) target(%dma_start3A_107 : memref<10064x128xf32, #tpu.memory_space<vmem_shared>>) offsets(%dma_start3A_104 : memref<100xi32, #tpu.memory_space<vmem>>) semaphore(%arg15 : memref<!tpu.dma_semaphore, #tpu.memory_space<semaphore_mem>>) {add = true}
        %mul3A_108 = arith.constant 3 : i32
        %mul3A_109 = arith.muli %scan3A_77, %mul3A_108 : i32
        %add3A_110 = arith.constant 1 : i32
        %add3A_111 = arith.addi %mul3A_109, %add3A_110 : i32
        %add3A_112 = arith.constant 3 : i32
        %add3A_113 = arith.addi %add3A_111, %add3A_112 : i32
        %sub3A_114 = arith.constant 1 : i32
        %sub3A_115 = arith.subi %add3A_113, %sub3A_114 : i32
        %lt3A_116 = arith.constant 40 : i32
        %lt3A_117 = arith.cmpi slt, %sub3A_115, %lt3A_116 : i32
        %ge3A_118 = arith.constant 1 : i32
        %ge3A_119 = arith.cmpi sge, %add3A_111, %ge3A_118 : i32
        %and3A_120 = arith.andi %lt3A_117, %ge3A_119 : i1
        %convert_element_type3A_121 = arith.extui %and3A_120 : i1 to i32
        %cond3A_122 = arith.constant 0 : i32
        %cond3A_123 = arith.cmpi ne, %convert_element_type3A_121, %cond3A_122 : i32
        scf.if %cond3A_123 {
          %dma_wait3A_182 = arith.constant 0 : i32
          %dma_wait3A_183 = tpu.memref_slice %arg8[%add3A_111, %dma_wait3A_182] : memref<40x100xi32, #tpu.memory_space<vmem>> -> memref<1x100xi32, #tpu.memory_space<vmem>>
          %dma_wait3A_184 = tpu.memref_squeeze %dma_wait3A_183 : memref<1x100xi32, #tpu.memory_space<vmem>> -> memref<100xi32, #tpu.memory_space<vmem>>
          %dma_wait3A_185 = arith.constant 0 : i32
          %dma_wait3A_186 = arith.constant 0 : i32
          %dma_wait3A_187 = tpu.memref_slice %arg6[%dma_wait3A_185, %dma_wait3A_186] : memref<10064x128xf32, #tpu.memory_space<vmem_shared>> -> memref<10064x128xf32, #tpu.memory_space<vmem_shared>>
          tpu.wait_indirect_dma semaphore(%arg15 : memref<!tpu.dma_semaphore, #tpu.memory_space<semaphore_mem>>) src(%arg9 : memref<100x128xf32, #tpu.memory_space<vmem>>) dst(%dma_wait3A_187 : memref<10064x128xf32, #tpu.memory_space<vmem_shared>>)
        } else {
        }
        %add3A_124 = arith.constant 3 : i32
        %add3A_125 = arith.addi %add3A_111, %add3A_124 : i32
        %sub3A_126 = arith.constant 1 : i32
        %sub3A_127 = arith.subi %add3A_125, %sub3A_126 : i32
        %lt3A_128 = arith.constant 40 : i32
        %lt3A_129 = arith.cmpi slt, %sub3A_127, %lt3A_128 : i32
        %convert_element_type3A_130 = arith.extui %lt3A_129 : i1 to i32
        %cond3A_131 = arith.constant 0 : i32
        %cond3A_132 = arith.cmpi ne, %convert_element_type3A_130, %cond3A_131 : i32
        scf.if %cond3A_132 {
          %add3A_182 = arith.constant 3 : i32
          %add3A_183 = arith.addi %add3A_111, %add3A_182 : i32
          %sub3A_184 = arith.constant 1 : i32
          %sub3A_185 = arith.subi %add3A_183, %sub3A_184 : i32
          %dma_start3A_186 = arith.constant 0 : i32
          %dma_start3A_187 = tpu.memref_slice %arg7[%sub3A_185, %dma_start3A_186] : memref<40x100xi32, #tpu.memory_space<vmem>> -> memref<1x100xi32, #tpu.memory_space<vmem>>
          %dma_start3A_188 = tpu.memref_squeeze %dma_start3A_187 : memref<1x100xi32, #tpu.memory_space<vmem>> -> memref<100xi32, #tpu.memory_space<vmem>>
          %dma_start3A_189 = arith.constant 0 : i32
          %dma_start3A_190 = arith.constant 0 : i32
          %dma_start3A_191 = tpu.memref_slice %arg2[%dma_start3A_189, %dma_start3A_190] : memref<20000x128xf32, #tpu.memory_space<hbm>> -> memref<20000x128xf32, #tpu.memory_space<hbm>>
          tpu.enqueue_indirect_dma source(%dma_start3A_191 : memref<20000x128xf32, #tpu.memory_space<hbm>>) target(%arg9 : memref<100x128xf32, #tpu.memory_space<vmem>>) offsets(%dma_start3A_188 : memref<100xi32, #tpu.memory_space<vmem>>) semaphore(%arg12 : memref<!tpu.dma_semaphore, #tpu.memory_space<semaphore_mem>>)
        } else {
        }
        %dma_wait3A_133 = arith.constant 0 : i32
        %dma_wait3A_134 = tpu.memref_slice %arg7[%add3A_111, %dma_wait3A_133] : memref<40x100xi32, #tpu.memory_space<vmem>> -> memref<1x100xi32, #tpu.memory_space<vmem>>
        %dma_wait3A_135 = tpu.memref_squeeze %dma_wait3A_134 : memref<1x100xi32, #tpu.memory_space<vmem>> -> memref<100xi32, #tpu.memory_space<vmem>>
        %dma_wait3A_136 = arith.constant 0 : i32
        %dma_wait3A_137 = arith.constant 0 : i32
        %dma_wait3A_138 = tpu.memref_slice %arg2[%dma_wait3A_136, %dma_wait3A_137] : memref<20000x128xf32, #tpu.memory_space<hbm>> -> memref<20000x128xf32, #tpu.memory_space<hbm>>
        tpu.wait_indirect_dma semaphore(%arg13 : memref<!tpu.dma_semaphore, #tpu.memory_space<semaphore_mem>>) src(%dma_wait3A_138 : memref<20000x128xf32, #tpu.memory_space<hbm>>) dst(%arg10 : memref<100x128xf32, #tpu.memory_space<vmem>>)
        %dma_start3A_139 = arith.constant 0 : i32
        %dma_start3A_140 = tpu.memref_slice %arg8[%add3A_111, %dma_start3A_139] : memref<40x100xi32, #tpu.memory_space<vmem>> -> memref<1x100xi32, #tpu.memory_space<vmem>>
        %dma_start3A_141 = tpu.memref_squeeze %dma_start3A_140 : memref<1x100xi32, #tpu.memory_space<vmem>> -> memref<100xi32, #tpu.memory_space<vmem>>
        %dma_start3A_142 = arith.constant 0 : i32
        %dma_start3A_143 = arith.constant 0 : i32
        %dma_start3A_144 = tpu.memref_slice %arg6[%dma_start3A_142, %dma_start3A_143] : memref<10064x128xf32, #tpu.memory_space<vmem_shared>> -> memref<10064x128xf32, #tpu.memory_space<vmem_shared>>
        tpu.enqueue_indirect_dma source(%arg10 : memref<100x128xf32, #tpu.memory_space<vmem>>) target(%dma_start3A_144 : memref<10064x128xf32, #tpu.memory_space<vmem_shared>>) offsets(%dma_start3A_141 : memref<100xi32, #tpu.memory_space<vmem>>) semaphore(%arg16 : memref<!tpu.dma_semaphore, #tpu.memory_space<semaphore_mem>>) {add = true}
        %mul3A_145 = arith.constant 3 : i32
        %mul3A_146 = arith.muli %scan3A_77, %mul3A_145 : i32
        %add3A_147 = arith.constant 2 : i32
        %add3A_148 = arith.addi %mul3A_146, %add3A_147 : i32
        %add3A_149 = arith.constant 3 : i32
        %add3A_150 = arith.addi %add3A_148, %add3A_149 : i32
        %sub3A_151 = arith.constant 1 : i32
        %sub3A_152 = arith.subi %add3A_150, %sub3A_151 : i32
        %lt3A_153 = arith.constant 40 : i32
        %lt3A_154 = arith.cmpi slt, %sub3A_152, %lt3A_153 : i32
        %ge3A_155 = arith.constant 1 : i32
        %ge3A_156 = arith.cmpi sge, %add3A_148, %ge3A_155 : i32
        %and3A_157 = arith.andi %lt3A_154, %ge3A_156 : i1
        %convert_element_type3A_158 = arith.extui %and3A_157 : i1 to i32
        %cond3A_159 = arith.constant 0 : i32
        %cond3A_160 = arith.cmpi ne, %convert_element_type3A_158, %cond3A_159 : i32
        scf.if %cond3A_160 {
          %dma_wait3A_182 = arith.constant 0 : i32
          %dma_wait3A_183 = tpu.memref_slice %arg8[%add3A_148, %dma_wait3A_182] : memref<40x100xi32, #tpu.memory_space<vmem>> -> memref<1x100xi32, #tpu.memory_space<vmem>>
          %dma_wait3A_184 = tpu.memref_squeeze %dma_wait3A_183 : memref<1x100xi32, #tpu.memory_space<vmem>> -> memref<100xi32, #tpu.memory_space<vmem>>
          %dma_wait3A_185 = arith.constant 0 : i32
          %dma_wait3A_186 = arith.constant 0 : i32
          %dma_wait3A_187 = tpu.memref_slice %arg6[%dma_wait3A_185, %dma_wait3A_186] : memref<10064x128xf32, #tpu.memory_space<vmem_shared>> -> memref<10064x128xf32, #tpu.memory_space<vmem_shared>>
          tpu.wait_indirect_dma semaphore(%arg16 : memref<!tpu.dma_semaphore, #tpu.memory_space<semaphore_mem>>) src(%arg10 : memref<100x128xf32, #tpu.memory_space<vmem>>) dst(%dma_wait3A_187 : memref<10064x128xf32, #tpu.memory_space<vmem_shared>>)
        } else {
        }
        %add3A_161 = arith.constant 3 : i32
        %add3A_162 = arith.addi %add3A_148, %add3A_161 : i32
        %sub3A_163 = arith.constant 1 : i32
        %sub3A_164 = arith.subi %add3A_162, %sub3A_163 : i32
        %lt3A_165 = arith.constant 40 : i32
        %lt3A_166 = arith.cmpi slt, %sub3A_164, %lt3A_165 : i32
        %convert_element_type3A_167 = arith.extui %lt3A_166 : i1 to i32
        %cond3A_168 = arith.constant 0 : i32
        %cond3A_169 = arith.cmpi ne, %convert_element_type3A_167, %cond3A_168 : i32
        scf.if %cond3A_169 {
          %add3A_182 = arith.constant 3 : i32
          %add3A_183 = arith.addi %add3A_148, %add3A_182 : i32
          %sub3A_184 = arith.constant 1 : i32
          %sub3A_185 = arith.subi %add3A_183, %sub3A_184 : i32
          %dma_start3A_186 = arith.constant 0 : i32
          %dma_start3A_187 = tpu.memref_slice %arg7[%sub3A_185, %dma_start3A_186] : memref<40x100xi32, #tpu.memory_space<vmem>> -> memref<1x100xi32, #tpu.memory_space<vmem>>
          %dma_start3A_188 = tpu.memref_squeeze %dma_start3A_187 : memref<1x100xi32, #tpu.memory_space<vmem>> -> memref<100xi32, #tpu.memory_space<vmem>>
          %dma_start3A_189 = arith.constant 0 : i32
          %dma_start3A_190 = arith.constant 0 : i32
          %dma_start3A_191 = tpu.memref_slice %arg2[%dma_start3A_189, %dma_start3A_190] : memref<20000x128xf32, #tpu.memory_space<hbm>> -> memref<20000x128xf32, #tpu.memory_space<hbm>>
          tpu.enqueue_indirect_dma source(%dma_start3A_191 : memref<20000x128xf32, #tpu.memory_space<hbm>>) target(%arg10 : memref<100x128xf32, #tpu.memory_space<vmem>>) offsets(%dma_start3A_188 : memref<100xi32, #tpu.memory_space<vmem>>) semaphore(%arg13 : memref<!tpu.dma_semaphore, #tpu.memory_space<semaphore_mem>>)
        } else {
        }
        %dma_wait3A_170 = arith.constant 0 : i32
        %dma_wait3A_171 = tpu.memref_slice %arg7[%add3A_148, %dma_wait3A_170] : memref<40x100xi32, #tpu.memory_space<vmem>> -> memref<1x100xi32, #tpu.memory_space<vmem>>
        %dma_wait3A_172 = tpu.memref_squeeze %dma_wait3A_171 : memref<1x100xi32, #tpu.memory_space<vmem>> -> memref<100xi32, #tpu.memory_space<vmem>>
        %dma_wait3A_173 = arith.constant 0 : i32
        %dma_wait3A_174 = arith.constant 0 : i32
        %dma_wait3A_175 = tpu.memref_slice %arg2[%dma_wait3A_173, %dma_wait3A_174] : memref<20000x128xf32, #tpu.memory_space<hbm>> -> memref<20000x128xf32, #tpu.memory_space<hbm>>
        tpu.wait_indirect_dma semaphore(%arg14 : memref<!tpu.dma_semaphore, #tpu.memory_space<semaphore_mem>>) src(%dma_wait3A_175 : memref<20000x128xf32, #tpu.memory_space<hbm>>) dst(%arg11 : memref<100x128xf32, #tpu.memory_space<vmem>>)
        %dma_start3A_176 = arith.constant 0 : i32
        %dma_start3A_177 = tpu.memref_slice %arg8[%add3A_148, %dma_start3A_176] : memref<40x100xi32, #tpu.memory_space<vmem>> -> memref<1x100xi32, #tpu.memory_space<vmem>>
        %dma_start3A_178 = tpu.memref_squeeze %dma_start3A_177 : memref<1x100xi32, #tpu.memory_space<vmem>> -> memref<100xi32, #tpu.memory_space<vmem>>
        %dma_start3A_179 = arith.constant 0 : i32
        %dma_start3A_180 = arith.constant 0 : i32
        %dma_start3A_181 = tpu.memref_slice %arg6[%dma_start3A_179, %dma_start3A_180] : memref<10064x128xf32, #tpu.memory_space<vmem_shared>> -> memref<10064x128xf32, #tpu.memory_space<vmem_shared>>
        tpu.enqueue_indirect_dma source(%arg11 : memref<100x128xf32, #tpu.memory_space<vmem>>) target(%dma_start3A_181 : memref<10064x128xf32, #tpu.memory_space<vmem_shared>>) offsets(%dma_start3A_178 : memref<100xi32, #tpu.memory_space<vmem>>) semaphore(%arg17 : memref<!tpu.dma_semaphore, #tpu.memory_space<semaphore_mem>>) {add = true}
      }
      %scan3A_42 = arith.constant 13 : i32
      %dma_wait3A = arith.constant 39 : i32
      %dma_wait3A_43 = arith.constant 0 : i32
      %dma_wait3A_44 = tpu.memref_slice %arg7[%dma_wait3A, %dma_wait3A_43] : memref<40x100xi32, #tpu.memory_space<vmem>> -> memref<1x100xi32, #tpu.memory_space<vmem>>
      %dma_wait3A_45 = tpu.memref_squeeze %dma_wait3A_44 : memref<1x100xi32, #tpu.memory_space<vmem>> -> memref<100xi32, #tpu.memory_space<vmem>>
      %dma_wait3A_46 = arith.constant 0 : i32
      %dma_wait3A_47 = arith.constant 0 : i32
      %dma_wait3A_48 = tpu.memref_slice %arg2[%dma_wait3A_46, %dma_wait3A_47] : memref<20000x128xf32, #tpu.memory_space<hbm>> -> memref<20000x128xf32, #tpu.memory_space<hbm>>
      tpu.wait_indirect_dma semaphore(%arg12 : memref<!tpu.dma_semaphore, #tpu.memory_space<semaphore_mem>>) src(%dma_wait3A_48 : memref<20000x128xf32, #tpu.memory_space<hbm>>) dst(%arg9 : memref<100x128xf32, #tpu.memory_space<vmem>>)
      %dma_start3A_49 = arith.constant 39 : i32
      %dma_start3A_50 = arith.constant 0 : i32
      %dma_start3A_51 = tpu.memref_slice %arg8[%dma_start3A_49, %dma_start3A_50] : memref<40x100xi32, #tpu.memory_space<vmem>> -> memref<1x100xi32, #tpu.memory_space<vmem>>
      %dma_start3A_52 = tpu.memref_squeeze %dma_start3A_51 : memref<1x100xi32, #tpu.memory_space<vmem>> -> memref<100xi32, #tpu.memory_space<vmem>>
      %dma_start3A_53 = arith.constant 0 : i32
      %dma_start3A_54 = arith.constant 0 : i32
      %dma_start3A_55 = tpu.memref_slice %arg6[%dma_start3A_53, %dma_start3A_54] : memref<10064x128xf32, #tpu.memory_space<vmem_shared>> -> memref<10064x128xf32, #tpu.memory_space<vmem_shared>>
      tpu.enqueue_indirect_dma source(%arg9 : memref<100x128xf32, #tpu.memory_space<vmem>>) target(%dma_start3A_55 : memref<10064x128xf32, #tpu.memory_space<vmem_shared>>) offsets(%dma_start3A_52 : memref<100xi32, #tpu.memory_space<vmem>>) semaphore(%arg15 : memref<!tpu.dma_semaphore, #tpu.memory_space<semaphore_mem>>) {add = true}
      %dma_wait3A_56 = arith.constant 0 : i32
      %dma_wait3A_57 = arith.constant 0 : i32
      %dma_wait3A_58 = tpu.memref_slice %arg8[%dma_wait3A_56, %dma_wait3A_57] : memref<40x100xi32, #tpu.memory_space<vmem>> -> memref<1x100xi32, #tpu.memory_space<vmem>>
      %dma_wait3A_59 = tpu.memref_squeeze %dma_wait3A_58 : memref<1x100xi32, #tpu.memory_space<vmem>> -> memref<100xi32, #tpu.memory_space<vmem>>
      %dma_wait3A_60 = arith.constant 0 : i32
      %dma_wait3A_61 = arith.constant 0 : i32
      %dma_wait3A_62 = tpu.memref_slice %arg6[%dma_wait3A_60, %dma_wait3A_61] : memref<10064x128xf32, #tpu.memory_space<vmem_shared>> -> memref<10064x128xf32, #tpu.memory_space<vmem_shared>>
      tpu.wait_indirect_dma semaphore(%arg15 : memref<!tpu.dma_semaphore, #tpu.memory_space<semaphore_mem>>) src(%arg9 : memref<100x128xf32, #tpu.memory_space<vmem>>) dst(%dma_wait3A_62 : memref<10064x128xf32, #tpu.memory_space<vmem_shared>>)
      %dma_wait3A_63 = arith.constant 1 : i32
      %dma_wait3A_64 = arith.constant 0 : i32
      %dma_wait3A_65 = tpu.memref_slice %arg8[%dma_wait3A_63, %dma_wait3A_64] : memref<40x100xi32, #tpu.memory_space<vmem>> -> memref<1x100xi32, #tpu.memory_space<vmem>>
      %dma_wait3A_66 = tpu.memref_squeeze %dma_wait3A_65 : memref<1x100xi32, #tpu.memory_space<vmem>> -> memref<100xi32, #tpu.memory_space<vmem>>
      %dma_wait3A_67 = arith.constant 0 : i32
      %dma_wait3A_68 = arith.constant 0 : i32
      %dma_wait3A_69 = tpu.memref_slice %arg6[%dma_wait3A_67, %dma_wait3A_68] : memref<10064x128xf32, #tpu.memory_space<vmem_shared>> -> memref<10064x128xf32, #tpu.memory_space<vmem_shared>>
      tpu.wait_indirect_dma semaphore(%arg16 : memref<!tpu.dma_semaphore, #tpu.memory_space<semaphore_mem>>) src(%arg10 : memref<100x128xf32, #tpu.memory_space<vmem>>) dst(%dma_wait3A_69 : memref<10064x128xf32, #tpu.memory_space<vmem_shared>>)
      %dma_wait3A_70 = arith.constant 2 : i32
      %dma_wait3A_71 = arith.constant 0 : i32
      %dma_wait3A_72 = tpu.memref_slice %arg8[%dma_wait3A_70, %dma_wait3A_71] : memref<40x100xi32, #tpu.memory_space<vmem>> -> memref<1x100xi32, #tpu.memory_space<vmem>>
      %dma_wait3A_73 = tpu.memref_squeeze %dma_wait3A_72 : memref<1x100xi32, #tpu.memory_space<vmem>> -> memref<100xi32, #tpu.memory_space<vmem>>
      %dma_wait3A_74 = arith.constant 0 : i32
      %dma_wait3A_75 = arith.constant 0 : i32
      %dma_wait3A_76 = tpu.memref_slice %arg6[%dma_wait3A_74, %dma_wait3A_75] : memref<10064x128xf32, #tpu.memory_space<vmem_shared>> -> memref<10064x128xf32, #tpu.memory_space<vmem_shared>>
      tpu.wait_indirect_dma semaphore(%arg17 : memref<!tpu.dma_semaphore, #tpu.memory_space<semaphore_mem>>) src(%arg11 : memref<100x128xf32, #tpu.memory_space<vmem>>) dst(%dma_wait3A_76 : memref<10064x128xf32, #tpu.memory_space<vmem_shared>>)
    }
    %scan3A_11 = arith.constant 5 : i32
    %barrier3A_12 = arith.constant 0 : index
    tpu.barrier barrier_id(%barrier3A_12)
    %scan3A_13 = arith.constant 0 : i32
    %scan3A_14 = arith.constant 0 : i32
    %scan3A_15 = arith.constant 8 : i32
    %scan3A_16 = arith.addi %scan3A_14, %scan3A_15 : i32
    %scan3A_17 = arith.constant 1 : i32
    scf.for %scan3A_19 = %scan3A_14 to %scan3A_16 step %scan3A_17  : i32 {
      %mul3A_20 = arith.constant 16 : i32
      %mul3A_21 = arith.muli %scan3A_19, %mul3A_20 : i32
      %add3A = arith.addi %mul3A_21, %arg1 : i32
      %lt3A = arith.constant 125 : i32
      %lt3A_22 = arith.cmpi slt, %add3A, %lt3A : i32
      %convert_element_type3A = arith.extui %lt3A_22 : i1 to i32
      %cond3A = arith.constant 0 : i32
      %cond3A_23 = arith.cmpi ne, %convert_element_type3A, %cond3A : i32
      scf.if %cond3A_23 {
        %mul3A_24 = arith.constant 80 : i32
        %mul3A_25 = arith.muli %add3A, %mul3A_24 : i32
        %add3A_26 = arith.addi %mul3A_0, %mul3A_25 : i32
        "tpu.region"() ({
          %run_scoped3A = tpu.sem_alloc : memref<!tpu.dma_semaphore, #tpu.memory_space<semaphore_mem>>
          %dma_start3A = arith.constant 0 : i32
          %dma_start3A_27 = tpu.memref_slice %arg5[%add3A_26, %dma_start3A] : memref<20000x128xf32, #tpu.memory_space<hbm>> -> memref<80x128xf32, #tpu.memory_space<hbm>>
          %dma_start3A_28 = arith.constant 0 : i32
          %dma_start3A_29 = tpu.memref_slice %arg6[%mul3A_25, %dma_start3A_28] : memref<10064x128xf32, #tpu.memory_space<vmem_shared>> -> memref<80x128xf32, #tpu.memory_space<vmem_shared>>
          tpu.enqueue_dma source(%dma_start3A_29 : memref<80x128xf32, #tpu.memory_space<vmem_shared>>) target(%dma_start3A_27 : memref<80x128xf32, #tpu.memory_space<hbm>>) target_semaphore(%run_scoped3A : memref<!tpu.dma_semaphore, #tpu.memory_space<semaphore_mem>>)
          %dma_wait3A = arith.constant 0 : i32
          %dma_wait3A_30 = tpu.memref_slice %arg5[%add3A_26, %dma_wait3A] : memref<20000x128xf32, #tpu.memory_space<hbm>> -> memref<80x128xf32, #tpu.memory_space<hbm>>
          %dma_wait3A_31 = arith.constant 0 : i32
          %dma_wait3A_32 = tpu.memref_slice %arg6[%mul3A_25, %dma_wait3A_31] : memref<10064x128xf32, #tpu.memory_space<vmem_shared>> -> memref<80x128xf32, #tpu.memory_space<vmem_shared>>
          tpu.wait_dma2 semaphore(%run_scoped3A : memref<!tpu.dma_semaphore, #tpu.memory_space<semaphore_mem>>) src(%dma_wait3A_32 : memref<80x128xf32, #tpu.memory_space<vmem_shared>>) dst(%dma_wait3A_30 : memref<80x128xf32, #tpu.memory_space<hbm>>)
          tpu.yield
        }) : () -> ()
      } else {
      }
    }
    %scan3A_18 = arith.constant 8 : i32
    return
  }
}

#map = affine_map<(d0, d1) -> (0, 0)>
#map1 = affine_map<(d0, d1) -> (0, 0, 0, 0)>
#map2 = affine_map<(d0, d1) -> (0, 0, 0)>
module attributes {stable_mosaic.version = 14 : i64} {
  func.func @_sc_pool_body(%arg0: i32, %arg1: i32, %arg2: memref<20000x128xf32, #tpu.memory_space<hbm>>, %arg3: memref<2x16x200x100xi32, #tpu.memory_space<hbm>>, %arg4: memref<16x200x100xi32, #tpu.memory_space<hbm>>, %arg5: memref<20000x128xf32, #tpu.memory_space<hbm>>, %arg6: memref<10064x128xf32, #tpu.memory_space<vmem_shared>>, %arg7: memref<40x100xi32, #tpu.memory_space<vmem>>, %arg8: memref<40x100xi32, #tpu.memory_space<vmem>>, %arg9: memref<100x128xf32, #tpu.memory_space<vmem>>, %arg10: memref<100x128xf32, #tpu.memory_space<vmem>>, %arg11: memref<100x128xf32, #tpu.memory_space<vmem>>, %arg12: memref<!tpu.dma_semaphore, #tpu.memory_space<semaphore_mem>>, %arg13: memref<!tpu.dma_semaphore, #tpu.memory_space<semaphore_mem>>, %arg14: memref<!tpu.dma_semaphore, #tpu.memory_space<semaphore_mem>>, %arg15: memref<!tpu.dma_semaphore, #tpu.memory_space<semaphore_mem>>, %arg16: memref<!tpu.dma_semaphore, #tpu.memory_space<semaphore_mem>>, %arg17: memref<!tpu.dma_semaphore, #tpu.memory_space<semaphore_mem>>) attributes {dimension_semantics = [#tpu.dimension_semantics<core_parallel>, #tpu.dimension_semantics<subcore_parallel>], iteration_bounds = array<i64: 2, 16>, scalar_prefetch = 0 : i64, scratch_operands = 12 : i64, tpu.core_type = #tpu.core_type<sc_vector_subcore>, window_params = [{transform_indices = #map}, {transform_indices = #map1}, {transform_indices = #map2}, {transform_indices = #map}]} {
    %mul3A = arith.constant 10000 : i32
    %mul3A_0 = arith.muli %arg0, %mul3A : i32
    %scan3A = arith.constant 0 : i32
    %scan3A_1 = arith.constant 0 : i32
    %scan3A_2 = arith.constant 8 : i32
    %scan3A_3 = arith.addi %scan3A_1, %scan3A_2 : i32
    %scan3A_4 = arith.constant 1 : i32
    scf.for %scan3A_19 = %scan3A_1 to %scan3A_3 step %scan3A_4  : i32 {
      %mul3A_20 = arith.constant 16 : i32
      %mul3A_21 = arith.muli %scan3A_19, %mul3A_20 : i32
      %add3A = arith.addi %mul3A_21, %arg1 : i32
      %lt3A = arith.constant 125 : i32
      %lt3A_22 = arith.cmpi slt, %add3A, %lt3A : i32
      %convert_element_type3A = arith.extui %lt3A_22 : i1 to i32
      %cond3A = arith.constant 0 : i32
      %cond3A_23 = arith.cmpi ne, %convert_element_type3A, %cond3A : i32
      scf.if %cond3A_23 {
        %mul3A_24 = arith.constant 80 : i32
        %mul3A_25 = arith.muli %add3A, %mul3A_24 : i32
        %add3A_26 = arith.addi %mul3A_0, %mul3A_25 : i32
        "tpu.region"() ({
          %run_scoped3A = tpu.sem_alloc : memref<!tpu.dma_semaphore, #tpu.memory_space<semaphore_mem>>
          %dma_start3A = arith.constant 0 : i32
          %dma_start3A_27 = tpu.memref_slice %arg6[%mul3A_25, %dma_start3A] : memref<10064x128xf32, #tpu.memory_space<vmem_shared>> -> memref<80x128xf32, #tpu.memory_space<vmem_shared>>
          %dma_start3A_28 = arith.constant 0 : i32
          %dma_start3A_29 = tpu.memref_slice %arg2[%add3A_26, %dma_start3A_28] : memref<20000x128xf32, #tpu.memory_space<hbm>> -> memref<80x128xf32, #tpu.memory_space<hbm>>
          tpu.enqueue_dma source(%dma_start3A_29 : memref<80x128xf32, #tpu.memory_space<hbm>>) target(%dma_start3A_27 : memref<80x128xf32, #tpu.memory_space<vmem_shared>>) target_semaphore(%run_scoped3A : memref<!tpu.dma_semaphore, #tpu.memory_space<semaphore_mem>>)
          %dma_wait3A = arith.constant 0 : i32
          %dma_wait3A_30 = tpu.memref_slice %arg6[%mul3A_25, %dma_wait3A] : memref<10064x128xf32, #tpu.memory_space<vmem_shared>> -> memref<80x128xf32, #tpu.memory_space<vmem_shared>>
          %dma_wait3A_31 = arith.constant 0 : i32
          %dma_wait3A_32 = tpu.memref_slice %arg2[%add3A_26, %dma_wait3A_31] : memref<20000x128xf32, #tpu.memory_space<hbm>> -> memref<80x128xf32, #tpu.memory_space<hbm>>
          tpu.wait_dma2 semaphore(%run_scoped3A : memref<!tpu.dma_semaphore, #tpu.memory_space<semaphore_mem>>) src(%dma_wait3A_32 : memref<80x128xf32, #tpu.memory_space<hbm>>) dst(%dma_wait3A_30 : memref<80x128xf32, #tpu.memory_space<vmem_shared>>)
          tpu.yield
        }) : () -> ()
      } else {
      }
    }
    %scan3A_5 = arith.constant 8 : i32
    %barrier3A = arith.constant 0 : index
    tpu.barrier barrier_id(%barrier3A)
    %scan3A_6 = arith.constant 0 : i32
    %scan3A_7 = arith.constant 0 : i32
    %scan3A_8 = arith.constant 5 : i32
    %scan3A_9 = arith.addi %scan3A_7, %scan3A_8 : i32
    %scan3A_10 = arith.constant 1 : i32
    scf.for %scan3A_19 = %scan3A_7 to %scan3A_9 step %scan3A_10  : i32 {
      %mul3A_20 = arith.constant 40 : i32
      %mul3A_21 = arith.muli %scan3A_19, %mul3A_20 : i32
      "tpu.region"() ({
        %run_scoped3A = tpu.sem_alloc : memref<!tpu.dma_semaphore, #tpu.memory_space<semaphore_mem>>
        %dma_start3A_77 = arith.constant 0 : i32
        %dma_start3A_78 = tpu.memref_slice %arg3[%arg0, %arg1, %mul3A_21, %dma_start3A_77] : memref<2x16x200x100xi32, #tpu.memory_space<hbm>> -> memref<1x1x40x100xi32, #tpu.memory_space<hbm>>
        %dma_start3A_79 = tpu.memref_squeeze %dma_start3A_78 : memref<1x1x40x100xi32, #tpu.memory_space<hbm>> -> memref<40x100xi32, #tpu.memory_space<hbm>>
        %dma_start3A_80 = arith.constant 0 : i32
        %dma_start3A_81 = tpu.memref_slice %arg3[%arg0, %arg1, %mul3A_21, %dma_start3A_80] : memref<2x16x200x100xi32, #tpu.memory_space<hbm>> -> memref<1x1x40x100xi32, #tpu.memory_space<hbm>>
        %dma_start3A_82 = tpu.memref_squeeze %dma_start3A_81 : memref<1x1x40x100xi32, #tpu.memory_space<hbm>> -> memref<40x100xi32, #tpu.memory_space<hbm>>
        tpu.enqueue_dma source(%dma_start3A_82 : memref<40x100xi32, #tpu.memory_space<hbm>>) target(%arg7 : memref<40x100xi32, #tpu.memory_space<vmem>>) target_semaphore(%run_scoped3A : memref<!tpu.dma_semaphore, #tpu.memory_space<semaphore_mem>>)
        %dma_wait3A_83 = arith.constant 0 : i32
        %dma_wait3A_84 = tpu.memref_slice %arg3[%arg0, %arg1, %mul3A_21, %dma_wait3A_83] : memref<2x16x200x100xi32, #tpu.memory_space<hbm>> -> memref<1x1x40x100xi32, #tpu.memory_space<hbm>>
        %dma_wait3A_85 = tpu.memref_squeeze %dma_wait3A_84 : memref<1x1x40x100xi32, #tpu.memory_space<hbm>> -> memref<40x100xi32, #tpu.memory_space<hbm>>
        %dma_wait3A_86 = arith.constant 0 : i32
        %dma_wait3A_87 = tpu.memref_slice %arg3[%arg0, %arg1, %mul3A_21, %dma_wait3A_86] : memref<2x16x200x100xi32, #tpu.memory_space<hbm>> -> memref<1x1x40x100xi32, #tpu.memory_space<hbm>>
        %dma_wait3A_88 = tpu.memref_squeeze %dma_wait3A_87 : memref<1x1x40x100xi32, #tpu.memory_space<hbm>> -> memref<40x100xi32, #tpu.memory_space<hbm>>
        tpu.wait_dma2 semaphore(%run_scoped3A : memref<!tpu.dma_semaphore, #tpu.memory_space<semaphore_mem>>) src(%dma_wait3A_88 : memref<40x100xi32, #tpu.memory_space<hbm>>) dst(%arg7 : memref<40x100xi32, #tpu.memory_space<vmem>>)
        tpu.yield
      }) : () -> ()
      %mul3A_22 = arith.constant 40 : i32
      %mul3A_23 = arith.muli %scan3A_19, %mul3A_22 : i32
      "tpu.region"() ({
        %run_scoped3A = tpu.sem_alloc : memref<!tpu.dma_semaphore, #tpu.memory_space<semaphore_mem>>
        %dma_start3A_77 = arith.constant 0 : i32
        %dma_start3A_78 = tpu.memref_slice %arg4[%arg1, %mul3A_23, %dma_start3A_77] : memref<16x200x100xi32, #tpu.memory_space<hbm>> -> memref<1x40x100xi32, #tpu.memory_space<hbm>>
        %dma_start3A_79 = tpu.memref_squeeze %dma_start3A_78 : memref<1x40x100xi32, #tpu.memory_space<hbm>> -> memref<40x100xi32, #tpu.memory_space<hbm>>
        %dma_start3A_80 = arith.constant 0 : i32
        %dma_start3A_81 = tpu.memref_slice %arg4[%arg1, %mul3A_23, %dma_start3A_80] : memref<16x200x100xi32, #tpu.memory_space<hbm>> -> memref<1x40x100xi32, #tpu.memory_space<hbm>>
        %dma_start3A_82 = tpu.memref_squeeze %dma_start3A_81 : memref<1x40x100xi32, #tpu.memory_space<hbm>> -> memref<40x100xi32, #tpu.memory_space<hbm>>
        tpu.enqueue_dma source(%dma_start3A_82 : memref<40x100xi32, #tpu.memory_space<hbm>>) target(%arg8 : memref<40x100xi32, #tpu.memory_space<vmem>>) target_semaphore(%run_scoped3A : memref<!tpu.dma_semaphore, #tpu.memory_space<semaphore_mem>>)
        %dma_wait3A_83 = arith.constant 0 : i32
        %dma_wait3A_84 = tpu.memref_slice %arg4[%arg1, %mul3A_23, %dma_wait3A_83] : memref<16x200x100xi32, #tpu.memory_space<hbm>> -> memref<1x40x100xi32, #tpu.memory_space<hbm>>
        %dma_wait3A_85 = tpu.memref_squeeze %dma_wait3A_84 : memref<1x40x100xi32, #tpu.memory_space<hbm>> -> memref<40x100xi32, #tpu.memory_space<hbm>>
        %dma_wait3A_86 = arith.constant 0 : i32
        %dma_wait3A_87 = tpu.memref_slice %arg4[%arg1, %mul3A_23, %dma_wait3A_86] : memref<16x200x100xi32, #tpu.memory_space<hbm>> -> memref<1x40x100xi32, #tpu.memory_space<hbm>>
        %dma_wait3A_88 = tpu.memref_squeeze %dma_wait3A_87 : memref<1x40x100xi32, #tpu.memory_space<hbm>> -> memref<40x100xi32, #tpu.memory_space<hbm>>
        tpu.wait_dma2 semaphore(%run_scoped3A : memref<!tpu.dma_semaphore, #tpu.memory_space<semaphore_mem>>) src(%dma_wait3A_88 : memref<40x100xi32, #tpu.memory_space<hbm>>) dst(%arg8 : memref<40x100xi32, #tpu.memory_space<vmem>>)
        tpu.yield
      }) : () -> ()
      %dma_start3A = arith.constant 0 : i32
      %dma_start3A_24 = arith.constant 0 : i32
      %dma_start3A_25 = tpu.memref_slice %arg7[%dma_start3A, %dma_start3A_24] : memref<40x100xi32, #tpu.memory_space<vmem>> -> memref<1x100xi32, #tpu.memory_space<vmem>>
      %dma_start3A_26 = tpu.memref_squeeze %dma_start3A_25 : memref<1x100xi32, #tpu.memory_space<vmem>> -> memref<100xi32, #tpu.memory_space<vmem>>
      %dma_start3A_27 = arith.constant 0 : i32
      %dma_start3A_28 = arith.constant 0 : i32
      %dma_start3A_29 = tpu.memref_slice %arg2[%dma_start3A_27, %dma_start3A_28] : memref<20000x128xf32, #tpu.memory_space<hbm>> -> memref<20000x128xf32, #tpu.memory_space<hbm>>
      tpu.enqueue_indirect_dma source(%dma_start3A_29 : memref<20000x128xf32, #tpu.memory_space<hbm>>) target(%arg9 : memref<100x128xf32, #tpu.memory_space<vmem>>) offsets(%dma_start3A_26 : memref<100xi32, #tpu.memory_space<vmem>>) semaphore(%arg12 : memref<!tpu.dma_semaphore, #tpu.memory_space<semaphore_mem>>)
      %dma_start3A_30 = arith.constant 1 : i32
      %dma_start3A_31 = arith.constant 0 : i32
      %dma_start3A_32 = tpu.memref_slice %arg7[%dma_start3A_30, %dma_start3A_31] : memref<40x100xi32, #tpu.memory_space<vmem>> -> memref<1x100xi32, #tpu.memory_space<vmem>>
      %dma_start3A_33 = tpu.memref_squeeze %dma_start3A_32 : memref<1x100xi32, #tpu.memory_space<vmem>> -> memref<100xi32, #tpu.memory_space<vmem>>
      %dma_start3A_34 = arith.constant 0 : i32
      %dma_start3A_35 = arith.constant 0 : i32
      %dma_start3A_36 = tpu.memref_slice %arg2[%dma_start3A_34, %dma_start3A_35] : memref<20000x128xf32, #tpu.memory_space<hbm>> -> memref<20000x128xf32, #tpu.memory_space<hbm>>
      tpu.enqueue_indirect_dma source(%dma_start3A_36 : memref<20000x128xf32, #tpu.memory_space<hbm>>) target(%arg10 : memref<100x128xf32, #tpu.memory_space<vmem>>) offsets(%dma_start3A_33 : memref<100xi32, #tpu.memory_space<vmem>>) semaphore(%arg13 : memref<!tpu.dma_semaphore, #tpu.memory_space<semaphore_mem>>)
      %scan3A_37 = arith.constant 0 : i32
      %scan3A_38 = arith.constant 0 : i32
      %scan3A_39 = arith.constant 13 : i32
      %scan3A_40 = arith.addi %scan3A_38, %scan3A_39 : i32
      %scan3A_41 = arith.constant 1 : i32
      scf.for %scan3A_77 = %scan3A_38 to %scan3A_40 step %scan3A_41  : i32 {
        %mul3A_78 = arith.constant 3 : i32
        %mul3A_79 = arith.muli %scan3A_77, %mul3A_78 : i32
        %add3A = arith.constant 0 : i32
        %add3A_80 = arith.addi %mul3A_79, %add3A : i32
        %add3A_81 = arith.constant 3 : i32
        %add3A_82 = arith.addi %add3A_80, %add3A_81 : i32
        %sub3A = arith.constant 1 : i32
        %sub3A_83 = arith.subi %add3A_82, %sub3A : i32
        %lt3A = arith.constant 40 : i32
        %lt3A_84 = arith.cmpi slt, %sub3A_83, %lt3A : i32
        %ge3A = arith.constant 1 : i32
        %ge3A_85 = arith.cmpi sge, %add3A_80, %ge3A : i32
        %and3A = arith.andi %lt3A_84, %ge3A_85 : i1
        %convert_element_type3A = arith.extui %and3A : i1 to i32
        %cond3A = arith.constant 0 : i32
        %cond3A_86 = arith.cmpi ne, %convert_element_type3A, %cond3A : i32
        scf.if %cond3A_86 {
          %dma_wait3A_182 = arith.constant 0 : i32
          %dma_wait3A_183 = tpu.memref_slice %arg8[%add3A_80, %dma_wait3A_182] : memref<40x100xi32, #tpu.memory_space<vmem>> -> memref<1x100xi32, #tpu.memory_space<vmem>>
          %dma_wait3A_184 = tpu.memref_squeeze %dma_wait3A_183 : memref<1x100xi32, #tpu.memory_space<vmem>> -> memref<100xi32, #tpu.memory_space<vmem>>
          %dma_wait3A_185 = arith.constant 0 : i32
          %dma_wait3A_186 = arith.constant 0 : i32
          %dma_wait3A_187 = tpu.memref_slice %arg6[%dma_wait3A_185, %dma_wait3A_186] : memref<10064x128xf32, #tpu.memory_space<vmem_shared>> -> memref<10064x128xf32, #tpu.memory_space<vmem_shared>>
          tpu.wait_indirect_dma semaphore(%arg17 : memref<!tpu.dma_semaphore, #tpu.memory_space<semaphore_mem>>) src(%arg11 : memref<100x128xf32, #tpu.memory_space<vmem>>) dst(%dma_wait3A_187 : memref<10064x128xf32, #tpu.memory_space<vmem_shared>>)
        } else {
        }
        %add3A_87 = arith.constant 3 : i32
        %add3A_88 = arith.addi %add3A_80, %add3A_87 : i32
        %sub3A_89 = arith.constant 1 : i32
        %sub3A_90 = arith.subi %add3A_88, %sub3A_89 : i32
        %lt3A_91 = arith.constant 40 : i32
        %lt3A_92 = arith.cmpi slt, %sub3A_90, %lt3A_91 : i32
        %convert_element_type3A_93 = arith.extui %lt3A_92 : i1 to i32
        %cond3A_94 = arith.constant 0 : i32
        %cond3A_95 = arith.cmpi ne, %convert_element_type3A_93, %cond3A_94 : i32
        scf.if %cond3A_95 {
          %add3A_182 = arith.constant 3 : i32
          %add3A_183 = arith.addi %add3A_80, %add3A_182 : i32
          %sub3A_184 = arith.constant 1 : i32
          %sub3A_185 = arith.subi %add3A_183, %sub3A_184 : i32
          %dma_start3A_186 = arith.constant 0 : i32
          %dma_start3A_187 = tpu.memref_slice %arg7[%sub3A_185, %dma_start3A_186] : memref<40x100xi32, #tpu.memory_space<vmem>> -> memref<1x100xi32, #tpu.memory_space<vmem>>
          %dma_start3A_188 = tpu.memref_squeeze %dma_start3A_187 : memref<1x100xi32, #tpu.memory_space<vmem>> -> memref<100xi32, #tpu.memory_space<vmem>>
          %dma_start3A_189 = arith.constant 0 : i32
          %dma_start3A_190 = arith.constant 0 : i32
          %dma_start3A_191 = tpu.memref_slice %arg2[%dma_start3A_189, %dma_start3A_190] : memref<20000x128xf32, #tpu.memory_space<hbm>> -> memref<20000x128xf32, #tpu.memory_space<hbm>>
          tpu.enqueue_indirect_dma source(%dma_start3A_191 : memref<20000x128xf32, #tpu.memory_space<hbm>>) target(%arg11 : memref<100x128xf32, #tpu.memory_space<vmem>>) offsets(%dma_start3A_188 : memref<100xi32, #tpu.memory_space<vmem>>) semaphore(%arg14 : memref<!tpu.dma_semaphore, #tpu.memory_space<semaphore_mem>>)
        } else {
        }
        %dma_wait3A_96 = arith.constant 0 : i32
        %dma_wait3A_97 = tpu.memref_slice %arg7[%add3A_80, %dma_wait3A_96] : memref<40x100xi32, #tpu.memory_space<vmem>> -> memref<1x100xi32, #tpu.memory_space<vmem>>
        %dma_wait3A_98 = tpu.memref_squeeze %dma_wait3A_97 : memref<1x100xi32, #tpu.memory_space<vmem>> -> memref<100xi32, #tpu.memory_space<vmem>>
        %dma_wait3A_99 = arith.constant 0 : i32
        %dma_wait3A_100 = arith.constant 0 : i32
        %dma_wait3A_101 = tpu.memref_slice %arg2[%dma_wait3A_99, %dma_wait3A_100] : memref<20000x128xf32, #tpu.memory_space<hbm>> -> memref<20000x128xf32, #tpu.memory_space<hbm>>
        tpu.wait_indirect_dma semaphore(%arg12 : memref<!tpu.dma_semaphore, #tpu.memory_space<semaphore_mem>>) src(%dma_wait3A_101 : memref<20000x128xf32, #tpu.memory_space<hbm>>) dst(%arg9 : memref<100x128xf32, #tpu.memory_space<vmem>>)
        %dma_start3A_102 = arith.constant 0 : i32
        %dma_start3A_103 = tpu.memref_slice %arg8[%add3A_80, %dma_start3A_102] : memref<40x100xi32, #tpu.memory_space<vmem>> -> memref<1x100xi32, #tpu.memory_space<vmem>>
        %dma_start3A_104 = tpu.memref_squeeze %dma_start3A_103 : memref<1x100xi32, #tpu.memory_space<vmem>> -> memref<100xi32, #tpu.memory_space<vmem>>
        %dma_start3A_105 = arith.constant 0 : i32
        %dma_start3A_106 = arith.constant 0 : i32
        %dma_start3A_107 = tpu.memref_slice %arg6[%dma_start3A_105, %dma_start3A_106] : memref<10064x128xf32, #tpu.memory_space<vmem_shared>> -> memref<10064x128xf32, #tpu.memory_space<vmem_shared>>
        tpu.enqueue_indirect_dma source(%arg9 : memref<100x128xf32, #tpu.memory_space<vmem>>) target(%dma_start3A_107 : memref<10064x128xf32, #tpu.memory_space<vmem_shared>>) offsets(%dma_start3A_104 : memref<100xi32, #tpu.memory_space<vmem>>) semaphore(%arg15 : memref<!tpu.dma_semaphore, #tpu.memory_space<semaphore_mem>>) {add = true}
        %mul3A_108 = arith.constant 3 : i32
        %mul3A_109 = arith.muli %scan3A_77, %mul3A_108 : i32
        %add3A_110 = arith.constant 1 : i32
        %add3A_111 = arith.addi %mul3A_109, %add3A_110 : i32
        %add3A_112 = arith.constant 3 : i32
        %add3A_113 = arith.addi %add3A_111, %add3A_112 : i32
        %sub3A_114 = arith.constant 1 : i32
        %sub3A_115 = arith.subi %add3A_113, %sub3A_114 : i32
        %lt3A_116 = arith.constant 40 : i32
        %lt3A_117 = arith.cmpi slt, %sub3A_115, %lt3A_116 : i32
        %ge3A_118 = arith.constant 1 : i32
        %ge3A_119 = arith.cmpi sge, %add3A_111, %ge3A_118 : i32
        %and3A_120 = arith.andi %lt3A_117, %ge3A_119 : i1
        %convert_element_type3A_121 = arith.extui %and3A_120 : i1 to i32
        %cond3A_122 = arith.constant 0 : i32
        %cond3A_123 = arith.cmpi ne, %convert_element_type3A_121, %cond3A_122 : i32
        scf.if %cond3A_123 {
          %dma_wait3A_182 = arith.constant 0 : i32
          %dma_wait3A_183 = tpu.memref_slice %arg8[%add3A_111, %dma_wait3A_182] : memref<40x100xi32, #tpu.memory_space<vmem>> -> memref<1x100xi32, #tpu.memory_space<vmem>>
          %dma_wait3A_184 = tpu.memref_squeeze %dma_wait3A_183 : memref<1x100xi32, #tpu.memory_space<vmem>> -> memref<100xi32, #tpu.memory_space<vmem>>
          %dma_wait3A_185 = arith.constant 0 : i32
          %dma_wait3A_186 = arith.constant 0 : i32
          %dma_wait3A_187 = tpu.memref_slice %arg6[%dma_wait3A_185, %dma_wait3A_186] : memref<10064x128xf32, #tpu.memory_space<vmem_shared>> -> memref<10064x128xf32, #tpu.memory_space<vmem_shared>>
          tpu.wait_indirect_dma semaphore(%arg15 : memref<!tpu.dma_semaphore, #tpu.memory_space<semaphore_mem>>) src(%arg9 : memref<100x128xf32, #tpu.memory_space<vmem>>) dst(%dma_wait3A_187 : memref<10064x128xf32, #tpu.memory_space<vmem_shared>>)
        } else {
        }
        %add3A_124 = arith.constant 3 : i32
        %add3A_125 = arith.addi %add3A_111, %add3A_124 : i32
        %sub3A_126 = arith.constant 1 : i32
        %sub3A_127 = arith.subi %add3A_125, %sub3A_126 : i32
        %lt3A_128 = arith.constant 40 : i32
        %lt3A_129 = arith.cmpi slt, %sub3A_127, %lt3A_128 : i32
        %convert_element_type3A_130 = arith.extui %lt3A_129 : i1 to i32
        %cond3A_131 = arith.constant 0 : i32
        %cond3A_132 = arith.cmpi ne, %convert_element_type3A_130, %cond3A_131 : i32
        scf.if %cond3A_132 {
          %add3A_182 = arith.constant 3 : i32
          %add3A_183 = arith.addi %add3A_111, %add3A_182 : i32
          %sub3A_184 = arith.constant 1 : i32
          %sub3A_185 = arith.subi %add3A_183, %sub3A_184 : i32
          %dma_start3A_186 = arith.constant 0 : i32
          %dma_start3A_187 = tpu.memref_slice %arg7[%sub3A_185, %dma_start3A_186] : memref<40x100xi32, #tpu.memory_space<vmem>> -> memref<1x100xi32, #tpu.memory_space<vmem>>
          %dma_start3A_188 = tpu.memref_squeeze %dma_start3A_187 : memref<1x100xi32, #tpu.memory_space<vmem>> -> memref<100xi32, #tpu.memory_space<vmem>>
          %dma_start3A_189 = arith.constant 0 : i32
          %dma_start3A_190 = arith.constant 0 : i32
          %dma_start3A_191 = tpu.memref_slice %arg2[%dma_start3A_189, %dma_start3A_190] : memref<20000x128xf32, #tpu.memory_space<hbm>> -> memref<20000x128xf32, #tpu.memory_space<hbm>>
          tpu.enqueue_indirect_dma source(%dma_start3A_191 : memref<20000x128xf32, #tpu.memory_space<hbm>>) target(%arg9 : memref<100x128xf32, #tpu.memory_space<vmem>>) offsets(%dma_start3A_188 : memref<100xi32, #tpu.memory_space<vmem>>) semaphore(%arg12 : memref<!tpu.dma_semaphore, #tpu.memory_space<semaphore_mem>>)
        } else {
        }
        %dma_wait3A_133 = arith.constant 0 : i32
        %dma_wait3A_134 = tpu.memref_slice %arg7[%add3A_111, %dma_wait3A_133] : memref<40x100xi32, #tpu.memory_space<vmem>> -> memref<1x100xi32, #tpu.memory_space<vmem>>
        %dma_wait3A_135 = tpu.memref_squeeze %dma_wait3A_134 : memref<1x100xi32, #tpu.memory_space<vmem>> -> memref<100xi32, #tpu.memory_space<vmem>>
        %dma_wait3A_136 = arith.constant 0 : i32
        %dma_wait3A_137 = arith.constant 0 : i32
        %dma_wait3A_138 = tpu.memref_slice %arg2[%dma_wait3A_136, %dma_wait3A_137] : memref<20000x128xf32, #tpu.memory_space<hbm>> -> memref<20000x128xf32, #tpu.memory_space<hbm>>
        tpu.wait_indirect_dma semaphore(%arg13 : memref<!tpu.dma_semaphore, #tpu.memory_space<semaphore_mem>>) src(%dma_wait3A_138 : memref<20000x128xf32, #tpu.memory_space<hbm>>) dst(%arg10 : memref<100x128xf32, #tpu.memory_space<vmem>>)
        %dma_start3A_139 = arith.constant 0 : i32
        %dma_start3A_140 = tpu.memref_slice %arg8[%add3A_111, %dma_start3A_139] : memref<40x100xi32, #tpu.memory_space<vmem>> -> memref<1x100xi32, #tpu.memory_space<vmem>>
        %dma_start3A_141 = tpu.memref_squeeze %dma_start3A_140 : memref<1x100xi32, #tpu.memory_space<vmem>> -> memref<100xi32, #tpu.memory_space<vmem>>
        %dma_start3A_142 = arith.constant 0 : i32
        %dma_start3A_143 = arith.constant 0 : i32
        %dma_start3A_144 = tpu.memref_slice %arg6[%dma_start3A_142, %dma_start3A_143] : memref<10064x128xf32, #tpu.memory_space<vmem_shared>> -> memref<10064x128xf32, #tpu.memory_space<vmem_shared>>
        tpu.enqueue_indirect_dma source(%arg10 : memref<100x128xf32, #tpu.memory_space<vmem>>) target(%dma_start3A_144 : memref<10064x128xf32, #tpu.memory_space<vmem_shared>>) offsets(%dma_start3A_141 : memref<100xi32, #tpu.memory_space<vmem>>) semaphore(%arg16 : memref<!tpu.dma_semaphore, #tpu.memory_space<semaphore_mem>>) {add = true}
        %mul3A_145 = arith.constant 3 : i32
        %mul3A_146 = arith.muli %scan3A_77, %mul3A_145 : i32
        %add3A_147 = arith.constant 2 : i32
        %add3A_148 = arith.addi %mul3A_146, %add3A_147 : i32
        %add3A_149 = arith.constant 3 : i32
        %add3A_150 = arith.addi %add3A_148, %add3A_149 : i32
        %sub3A_151 = arith.constant 1 : i32
        %sub3A_152 = arith.subi %add3A_150, %sub3A_151 : i32
        %lt3A_153 = arith.constant 40 : i32
        %lt3A_154 = arith.cmpi slt, %sub3A_152, %lt3A_153 : i32
        %ge3A_155 = arith.constant 1 : i32
        %ge3A_156 = arith.cmpi sge, %add3A_148, %ge3A_155 : i32
        %and3A_157 = arith.andi %lt3A_154, %ge3A_156 : i1
        %convert_element_type3A_158 = arith.extui %and3A_157 : i1 to i32
        %cond3A_159 = arith.constant 0 : i32
        %cond3A_160 = arith.cmpi ne, %convert_element_type3A_158, %cond3A_159 : i32
        scf.if %cond3A_160 {
          %dma_wait3A_182 = arith.constant 0 : i32
          %dma_wait3A_183 = tpu.memref_slice %arg8[%add3A_148, %dma_wait3A_182] : memref<40x100xi32, #tpu.memory_space<vmem>> -> memref<1x100xi32, #tpu.memory_space<vmem>>
          %dma_wait3A_184 = tpu.memref_squeeze %dma_wait3A_183 : memref<1x100xi32, #tpu.memory_space<vmem>> -> memref<100xi32, #tpu.memory_space<vmem>>
          %dma_wait3A_185 = arith.constant 0 : i32
          %dma_wait3A_186 = arith.constant 0 : i32
          %dma_wait3A_187 = tpu.memref_slice %arg6[%dma_wait3A_185, %dma_wait3A_186] : memref<10064x128xf32, #tpu.memory_space<vmem_shared>> -> memref<10064x128xf32, #tpu.memory_space<vmem_shared>>
          tpu.wait_indirect_dma semaphore(%arg16 : memref<!tpu.dma_semaphore, #tpu.memory_space<semaphore_mem>>) src(%arg10 : memref<100x128xf32, #tpu.memory_space<vmem>>) dst(%dma_wait3A_187 : memref<10064x128xf32, #tpu.memory_space<vmem_shared>>)
        } else {
        }
        %add3A_161 = arith.constant 3 : i32
        %add3A_162 = arith.addi %add3A_148, %add3A_161 : i32
        %sub3A_163 = arith.constant 1 : i32
        %sub3A_164 = arith.subi %add3A_162, %sub3A_163 : i32
        %lt3A_165 = arith.constant 40 : i32
        %lt3A_166 = arith.cmpi slt, %sub3A_164, %lt3A_165 : i32
        %convert_element_type3A_167 = arith.extui %lt3A_166 : i1 to i32
        %cond3A_168 = arith.constant 0 : i32
        %cond3A_169 = arith.cmpi ne, %convert_element_type3A_167, %cond3A_168 : i32
        scf.if %cond3A_169 {
          %add3A_182 = arith.constant 3 : i32
          %add3A_183 = arith.addi %add3A_148, %add3A_182 : i32
          %sub3A_184 = arith.constant 1 : i32
          %sub3A_185 = arith.subi %add3A_183, %sub3A_184 : i32
          %dma_start3A_186 = arith.constant 0 : i32
          %dma_start3A_187 = tpu.memref_slice %arg7[%sub3A_185, %dma_start3A_186] : memref<40x100xi32, #tpu.memory_space<vmem>> -> memref<1x100xi32, #tpu.memory_space<vmem>>
          %dma_start3A_188 = tpu.memref_squeeze %dma_start3A_187 : memref<1x100xi32, #tpu.memory_space<vmem>> -> memref<100xi32, #tpu.memory_space<vmem>>
          %dma_start3A_189 = arith.constant 0 : i32
          %dma_start3A_190 = arith.constant 0 : i32
          %dma_start3A_191 = tpu.memref_slice %arg2[%dma_start3A_189, %dma_start3A_190] : memref<20000x128xf32, #tpu.memory_space<hbm>> -> memref<20000x128xf32, #tpu.memory_space<hbm>>
          tpu.enqueue_indirect_dma source(%dma_start3A_191 : memref<20000x128xf32, #tpu.memory_space<hbm>>) target(%arg10 : memref<100x128xf32, #tpu.memory_space<vmem>>) offsets(%dma_start3A_188 : memref<100xi32, #tpu.memory_space<vmem>>) semaphore(%arg13 : memref<!tpu.dma_semaphore, #tpu.memory_space<semaphore_mem>>)
        } else {
        }
        %dma_wait3A_170 = arith.constant 0 : i32
        %dma_wait3A_171 = tpu.memref_slice %arg7[%add3A_148, %dma_wait3A_170] : memref<40x100xi32, #tpu.memory_space<vmem>> -> memref<1x100xi32, #tpu.memory_space<vmem>>
        %dma_wait3A_172 = tpu.memref_squeeze %dma_wait3A_171 : memref<1x100xi32, #tpu.memory_space<vmem>> -> memref<100xi32, #tpu.memory_space<vmem>>
        %dma_wait3A_173 = arith.constant 0 : i32
        %dma_wait3A_174 = arith.constant 0 : i32
        %dma_wait3A_175 = tpu.memref_slice %arg2[%dma_wait3A_173, %dma_wait3A_174] : memref<20000x128xf32, #tpu.memory_space<hbm>> -> memref<20000x128xf32, #tpu.memory_space<hbm>>
        tpu.wait_indirect_dma semaphore(%arg14 : memref<!tpu.dma_semaphore, #tpu.memory_space<semaphore_mem>>) src(%dma_wait3A_175 : memref<20000x128xf32, #tpu.memory_space<hbm>>) dst(%arg11 : memref<100x128xf32, #tpu.memory_space<vmem>>)
        %dma_start3A_176 = arith.constant 0 : i32
        %dma_start3A_177 = tpu.memref_slice %arg8[%add3A_148, %dma_start3A_176] : memref<40x100xi32, #tpu.memory_space<vmem>> -> memref<1x100xi32, #tpu.memory_space<vmem>>
        %dma_start3A_178 = tpu.memref_squeeze %dma_start3A_177 : memref<1x100xi32, #tpu.memory_space<vmem>> -> memref<100xi32, #tpu.memory_space<vmem>>
        %dma_start3A_179 = arith.constant 0 : i32
        %dma_start3A_180 = arith.constant 0 : i32
        %dma_start3A_181 = tpu.memref_slice %arg6[%dma_start3A_179, %dma_start3A_180] : memref<10064x128xf32, #tpu.memory_space<vmem_shared>> -> memref<10064x128xf32, #tpu.memory_space<vmem_shared>>
        tpu.enqueue_indirect_dma source(%arg11 : memref<100x128xf32, #tpu.memory_space<vmem>>) target(%dma_start3A_181 : memref<10064x128xf32, #tpu.memory_space<vmem_shared>>) offsets(%dma_start3A_178 : memref<100xi32, #tpu.memory_space<vmem>>) semaphore(%arg17 : memref<!tpu.dma_semaphore, #tpu.memory_space<semaphore_mem>>) {add = true}
      }
      %scan3A_42 = arith.constant 13 : i32
      %dma_wait3A = arith.constant 39 : i32
      %dma_wait3A_43 = arith.constant 0 : i32
      %dma_wait3A_44 = tpu.memref_slice %arg7[%dma_wait3A, %dma_wait3A_43] : memref<40x100xi32, #tpu.memory_space<vmem>> -> memref<1x100xi32, #tpu.memory_space<vmem>>
      %dma_wait3A_45 = tpu.memref_squeeze %dma_wait3A_44 : memref<1x100xi32, #tpu.memory_space<vmem>> -> memref<100xi32, #tpu.memory_space<vmem>>
      %dma_wait3A_46 = arith.constant 0 : i32
      %dma_wait3A_47 = arith.constant 0 : i32
      %dma_wait3A_48 = tpu.memref_slice %arg2[%dma_wait3A_46, %dma_wait3A_47] : memref<20000x128xf32, #tpu.memory_space<hbm>> -> memref<20000x128xf32, #tpu.memory_space<hbm>>
      tpu.wait_indirect_dma semaphore(%arg12 : memref<!tpu.dma_semaphore, #tpu.memory_space<semaphore_mem>>) src(%dma_wait3A_48 : memref<20000x128xf32, #tpu.memory_space<hbm>>) dst(%arg9 : memref<100x128xf32, #tpu.memory_space<vmem>>)
      %dma_start3A_49 = arith.constant 39 : i32
      %dma_start3A_50 = arith.constant 0 : i32
      %dma_start3A_51 = tpu.memref_slice %arg8[%dma_start3A_49, %dma_start3A_50] : memref<40x100xi32, #tpu.memory_space<vmem>> -> memref<1x100xi32, #tpu.memory_space<vmem>>
      %dma_start3A_52 = tpu.memref_squeeze %dma_start3A_51 : memref<1x100xi32, #tpu.memory_space<vmem>> -> memref<100xi32, #tpu.memory_space<vmem>>
      %dma_start3A_53 = arith.constant 0 : i32
      %dma_start3A_54 = arith.constant 0 : i32
      %dma_start3A_55 = tpu.memref_slice %arg6[%dma_start3A_53, %dma_start3A_54] : memref<10064x128xf32, #tpu.memory_space<vmem_shared>> -> memref<10064x128xf32, #tpu.memory_space<vmem_shared>>
      tpu.enqueue_indirect_dma source(%arg9 : memref<100x128xf32, #tpu.memory_space<vmem>>) target(%dma_start3A_55 : memref<10064x128xf32, #tpu.memory_space<vmem_shared>>) offsets(%dma_start3A_52 : memref<100xi32, #tpu.memory_space<vmem>>) semaphore(%arg15 : memref<!tpu.dma_semaphore, #tpu.memory_space<semaphore_mem>>) {add = true}
      %dma_wait3A_56 = arith.constant 0 : i32
      %dma_wait3A_57 = arith.constant 0 : i32
      %dma_wait3A_58 = tpu.memref_slice %arg8[%dma_wait3A_56, %dma_wait3A_57] : memref<40x100xi32, #tpu.memory_space<vmem>> -> memref<1x100xi32, #tpu.memory_space<vmem>>
      %dma_wait3A_59 = tpu.memref_squeeze %dma_wait3A_58 : memref<1x100xi32, #tpu.memory_space<vmem>> -> memref<100xi32, #tpu.memory_space<vmem>>
      %dma_wait3A_60 = arith.constant 0 : i32
      %dma_wait3A_61 = arith.constant 0 : i32
      %dma_wait3A_62 = tpu.memref_slice %arg6[%dma_wait3A_60, %dma_wait3A_61] : memref<10064x128xf32, #tpu.memory_space<vmem_shared>> -> memref<10064x128xf32, #tpu.memory_space<vmem_shared>>
      tpu.wait_indirect_dma semaphore(%arg15 : memref<!tpu.dma_semaphore, #tpu.memory_space<semaphore_mem>>) src(%arg9 : memref<100x128xf32, #tpu.memory_space<vmem>>) dst(%dma_wait3A_62 : memref<10064x128xf32, #tpu.memory_space<vmem_shared>>)
      %dma_wait3A_63 = arith.constant 1 : i32
      %dma_wait3A_64 = arith.constant 0 : i32
      %dma_wait3A_65 = tpu.memref_slice %arg8[%dma_wait3A_63, %dma_wait3A_64] : memref<40x100xi32, #tpu.memory_space<vmem>> -> memref<1x100xi32, #tpu.memory_space<vmem>>
      %dma_wait3A_66 = tpu.memref_squeeze %dma_wait3A_65 : memref<1x100xi32, #tpu.memory_space<vmem>> -> memref<100xi32, #tpu.memory_space<vmem>>
      %dma_wait3A_67 = arith.constant 0 : i32
      %dma_wait3A_68 = arith.constant 0 : i32
      %dma_wait3A_69 = tpu.memref_slice %arg6[%dma_wait3A_67, %dma_wait3A_68] : memref<10064x128xf32, #tpu.memory_space<vmem_shared>> -> memref<10064x128xf32, #tpu.memory_space<vmem_shared>>
      tpu.wait_indirect_dma semaphore(%arg16 : memref<!tpu.dma_semaphore, #tpu.memory_space<semaphore_mem>>) src(%arg10 : memref<100x128xf32, #tpu.memory_space<vmem>>) dst(%dma_wait3A_69 : memref<10064x128xf32, #tpu.memory_space<vmem_shared>>)
      %dma_wait3A_70 = arith.constant 2 : i32
      %dma_wait3A_71 = arith.constant 0 : i32
      %dma_wait3A_72 = tpu.memref_slice %arg8[%dma_wait3A_70, %dma_wait3A_71] : memref<40x100xi32, #tpu.memory_space<vmem>> -> memref<1x100xi32, #tpu.memory_space<vmem>>
      %dma_wait3A_73 = tpu.memref_squeeze %dma_wait3A_72 : memref<1x100xi32, #tpu.memory_space<vmem>> -> memref<100xi32, #tpu.memory_space<vmem>>
      %dma_wait3A_74 = arith.constant 0 : i32
      %dma_wait3A_75 = arith.constant 0 : i32
      %dma_wait3A_76 = tpu.memref_slice %arg6[%dma_wait3A_74, %dma_wait3A_75] : memref<10064x128xf32, #tpu.memory_space<vmem_shared>> -> memref<10064x128xf32, #tpu.memory_space<vmem_shared>>
      tpu.wait_indirect_dma semaphore(%arg17 : memref<!tpu.dma_semaphore, #tpu.memory_space<semaphore_mem>>) src(%arg11 : memref<100x128xf32, #tpu.memory_space<vmem>>) dst(%dma_wait3A_76 : memref<10064x128xf32, #tpu.memory_space<vmem_shared>>)
    }
    %scan3A_11 = arith.constant 5 : i32
    %barrier3A_12 = arith.constant 0 : index
    tpu.barrier barrier_id(%barrier3A_12)
    %scan3A_13 = arith.constant 0 : i32
    %scan3A_14 = arith.constant 0 : i32
    %scan3A_15 = arith.constant 8 : i32
    %scan3A_16 = arith.addi %scan3A_14, %scan3A_15 : i32
    %scan3A_17 = arith.constant 1 : i32
    scf.for %scan3A_19 = %scan3A_14 to %scan3A_16 step %scan3A_17  : i32 {
      %mul3A_20 = arith.constant 16 : i32
      %mul3A_21 = arith.muli %scan3A_19, %mul3A_20 : i32
      %add3A = arith.addi %mul3A_21, %arg1 : i32
      %lt3A = arith.constant 125 : i32
      %lt3A_22 = arith.cmpi slt, %add3A, %lt3A : i32
      %convert_element_type3A = arith.extui %lt3A_22 : i1 to i32
      %cond3A = arith.constant 0 : i32
      %cond3A_23 = arith.cmpi ne, %convert_element_type3A, %cond3A : i32
      scf.if %cond3A_23 {
        %mul3A_24 = arith.constant 80 : i32
        %mul3A_25 = arith.muli %add3A, %mul3A_24 : i32
        %add3A_26 = arith.addi %mul3A_0, %mul3A_25 : i32
        "tpu.region"() ({
          %run_scoped3A = tpu.sem_alloc : memref<!tpu.dma_semaphore, #tpu.memory_space<semaphore_mem>>
          %dma_start3A = arith.constant 0 : i32
          %dma_start3A_27 = tpu.memref_slice %arg5[%add3A_26, %dma_start3A] : memref<20000x128xf32, #tpu.memory_space<hbm>> -> memref<80x128xf32, #tpu.memory_space<hbm>>
          %dma_start3A_28 = arith.constant 0 : i32
          %dma_start3A_29 = tpu.memref_slice %arg6[%mul3A_25, %dma_start3A_28] : memref<10064x128xf32, #tpu.memory_space<vmem_shared>> -> memref<80x128xf32, #tpu.memory_space<vmem_shared>>
          tpu.enqueue_dma source(%dma_start3A_29 : memref<80x128xf32, #tpu.memory_space<vmem_shared>>) target(%dma_start3A_27 : memref<80x128xf32, #tpu.memory_space<hbm>>) target_semaphore(%run_scoped3A : memref<!tpu.dma_semaphore, #tpu.memory_space<semaphore_mem>>)
          %dma_wait3A = arith.constant 0 : i32
          %dma_wait3A_30 = tpu.memref_slice %arg5[%add3A_26, %dma_wait3A] : memref<20000x128xf32, #tpu.memory_space<hbm>> -> memref<80x128xf32, #tpu.memory_space<hbm>>
          %dma_wait3A_31 = arith.constant 0 : i32
          %dma_wait3A_32 = tpu.memref_slice %arg6[%mul3A_25, %dma_wait3A_31] : memref<10064x128xf32, #tpu.memory_space<vmem_shared>> -> memref<80x128xf32, #tpu.memory_space<vmem_shared>>
          tpu.wait_dma2 semaphore(%run_scoped3A : memref<!tpu.dma_semaphore, #tpu.memory_space<semaphore_mem>>) src(%dma_wait3A_32 : memref<80x128xf32, #tpu.memory_space<vmem_shared>>) dst(%dma_wait3A_30 : memref<80x128xf32, #tpu.memory_space<hbm>>)
          tpu.yield
        }) : () -> ()
      } else {
      }
    }
    %scan3A_18 = arith.constant 8 : i32
    return
  }
}

module attributes {stable_mosaic.version = 14 : i64} {
  func.func @_dense_body(%arg0: memref<20000x128xf32, #tpu.memory_space<vmem>>, %arg1: memref<128x128xf32, #tpu.memory_space<vmem>>, %arg2: memref<1x128xf32, #tpu.memory_space<vmem>>, %arg3: memref<1x128xf32, #tpu.memory_space<vmem>>, %arg4: memref<1x128xf32, #tpu.memory_space<vmem>>, %arg5: memref<128x128xf32, #tpu.memory_space<vmem>>, %arg6: memref<1x128xf32, #tpu.memory_space<vmem>>, %arg7: memref<1x128xf32, #tpu.memory_space<vmem>>, %arg8: memref<1x128xf32, #tpu.memory_space<vmem>>, %arg9: memref<20000x128xf32, #tpu.memory_space<vmem>>) attributes {dimension_semantics = [], scalar_prefetch = 0 : i64, scratch_operands = 0 : i64, tpu.core_type = #tpu.core_type<tc>} {
    %get3A = arith.constant 0 : index
    %get3A_0 = arith.constant 0 : index
    %get3A_1 = vector.load %arg1[%get3A, %get3A_0] : memref<128x128xf32, #tpu.memory_space<vmem>>, vector<128x128xf32>
    %get3A_2 = arith.constant 0 : index
    %get3A_3 = arith.constant 0 : index
    %get3A_4 = vector.load %arg5[%get3A_2, %get3A_3] : memref<128x128xf32, #tpu.memory_space<vmem>>, vector<128x128xf32>
    %get3A_5 = arith.constant 0 : index
    %get3A_6 = arith.constant 0 : index
    %get3A_7 = vector.load %arg2[%get3A_5, %get3A_6] : memref<1x128xf32, #tpu.memory_space<vmem>>, vector<1x128xf32>
    %get3A_8 = arith.constant 0 : index
    %get3A_9 = arith.constant 0 : index
    %get3A_10 = vector.load %arg3[%get3A_8, %get3A_9] : memref<1x128xf32, #tpu.memory_space<vmem>>, vector<1x128xf32>
    %get3A_11 = arith.constant 0 : index
    %get3A_12 = arith.constant 0 : index
    %get3A_13 = vector.load %arg4[%get3A_11, %get3A_12] : memref<1x128xf32, #tpu.memory_space<vmem>>, vector<1x128xf32>
    %get3A_14 = arith.constant 0 : index
    %get3A_15 = arith.constant 0 : index
    %get3A_16 = vector.load %arg6[%get3A_14, %get3A_15] : memref<1x128xf32, #tpu.memory_space<vmem>>, vector<1x128xf32>
    %get3A_17 = arith.constant 0 : index
    %get3A_18 = arith.constant 0 : index
    %get3A_19 = vector.load %arg7[%get3A_17, %get3A_18] : memref<1x128xf32, #tpu.memory_space<vmem>>, vector<1x128xf32>
    %get3A_20 = arith.constant 0 : index
    %get3A_21 = arith.constant 0 : index
    %get3A_22 = vector.load %arg8[%get3A_20, %get3A_21] : memref<1x128xf32, #tpu.memory_space<vmem>>, vector<1x128xf32>
    %get3A_23 = arith.constant 0 : index
    %get3A_24 = arith.constant 0 : index
    %get3A_25 = vector.load %arg0[%get3A_23, %get3A_24] : memref<20000x128xf32, #tpu.memory_space<vmem>>, vector<10000x128xf32>
    %dot_general3A = arith.constant dense<0.000000e+00> : vector<10000x128xf32>
    %dot_general3A_26 = tpu.matmul %get3A_25, %get3A_1, %dot_general3A {dimension_numbers = #tpu.dot_dimension_numbers<[1], [0], [0], [1], [0, 0, 1, 1], [], []>, precision = #tpu.contract_precision<fp32>, transpose_lhs_hint = false} : vector<10000x128xf32>, vector<128x128xf32>, vector<10000x128xf32> -> vector<10000x128xf32>
    %add3A = vector.broadcast %get3A_7 : vector<1x128xf32> to vector<10000x128xf32>
    %add3A_27 = arith.addf %dot_general3A_26, %add3A : vector<10000x128xf32>
    %reduce_sum3A = arith.constant dense<0.000000e+00> : vector<128xf32>
    %reduce_sum3A_28 = vector.multi_reduction <add>, %add3A_27, %reduce_sum3A [0] : vector<10000x128xf32> to vector<128xf32>
    %broadcast_in_dim3A = vector.shape_cast %reduce_sum3A_28 : vector<128xf32> to vector<1x128xf32>
    %div3A = arith.constant 1.000000e+04 : f32
    %div3A_29 = vector.broadcast %div3A : f32 to vector<1x128xf32>
    %div3A_30 = arith.divf %broadcast_in_dim3A, %div3A_29 : vector<1x128xf32>
    %sub3A = vector.broadcast %div3A_30 : vector<1x128xf32> to vector<10000x128xf32>
    %sub3A_31 = arith.subf %add3A_27, %sub3A : vector<10000x128xf32>
    %sub3A_32 = vector.broadcast %div3A_30 : vector<1x128xf32> to vector<10000x128xf32>
    %sub3A_33 = arith.subf %add3A_27, %sub3A_32 : vector<10000x128xf32>
    %mul3A = arith.mulf %sub3A_31, %sub3A_33 : vector<10000x128xf32>
    %reduce_sum3A_34 = arith.constant dense<0.000000e+00> : vector<128xf32>
    %reduce_sum3A_35 = vector.multi_reduction <add>, %mul3A, %reduce_sum3A_34 [0] : vector<10000x128xf32> to vector<128xf32>
    %broadcast_in_dim3A_36 = vector.shape_cast %reduce_sum3A_35 : vector<128xf32> to vector<1x128xf32>
    %div3A_37 = arith.constant 1.000000e+04 : f32
    %div3A_38 = vector.broadcast %div3A_37 : f32 to vector<1x128xf32>
    %div3A_39 = arith.divf %broadcast_in_dim3A_36, %div3A_38 : vector<1x128xf32>
    %sub3A_40 = vector.broadcast %div3A_30 : vector<1x128xf32> to vector<10000x128xf32>
    %sub3A_41 = arith.subf %add3A_27, %sub3A_40 : vector<10000x128xf32>
    %mul3A_42 = vector.broadcast %get3A_10 : vector<1x128xf32> to vector<10000x128xf32>
    %mul3A_43 = arith.mulf %mul3A_42, %sub3A_41 : vector<10000x128xf32>
    %add3A_44 = arith.constant 9.99999974E-6 : f32
    %add3A_45 = vector.broadcast %add3A_44 : f32 to vector<1x128xf32>
    %add3A_46 = arith.addf %div3A_39, %add3A_45 : vector<1x128xf32>
    %rsqrt3A = math.rsqrt %add3A_46 : vector<1x128xf32>
    %mul3A_47 = vector.broadcast %rsqrt3A : vector<1x128xf32> to vector<10000x128xf32>
    %mul3A_48 = arith.mulf %mul3A_43, %mul3A_47 : vector<10000x128xf32>
    %add3A_49 = vector.broadcast %get3A_13 : vector<1x128xf32> to vector<10000x128xf32>
    %add3A_50 = arith.addf %mul3A_48, %add3A_49 : vector<10000x128xf32>
    %max3A = arith.constant 0.000000e+00 : f32
    %max3A_51 = vector.broadcast %max3A : f32 to vector<10000x128xf32>
    %max3A_52 = arith.maximumf %add3A_50, %max3A_51 : vector<10000x128xf32>
    %dot_general3A_53 = arith.constant dense<0.000000e+00> : vector<10000x128xf32>
    %dot_general3A_54 = tpu.matmul %max3A_52, %get3A_4, %dot_general3A_53 {dimension_numbers = #tpu.dot_dimension_numbers<[1], [0], [0], [1], [0, 0, 1, 1], [], []>, precision = #tpu.contract_precision<fp32>, transpose_lhs_hint = false} : vector<10000x128xf32>, vector<128x128xf32>, vector<10000x128xf32> -> vector<10000x128xf32>
    %add3A_55 = vector.broadcast %get3A_16 : vector<1x128xf32> to vector<10000x128xf32>
    %add3A_56 = arith.addf %dot_general3A_54, %add3A_55 : vector<10000x128xf32>
    %reduce_sum3A_57 = arith.constant dense<0.000000e+00> : vector<128xf32>
    %reduce_sum3A_58 = vector.multi_reduction <add>, %add3A_56, %reduce_sum3A_57 [0] : vector<10000x128xf32> to vector<128xf32>
    %broadcast_in_dim3A_59 = vector.shape_cast %reduce_sum3A_58 : vector<128xf32> to vector<1x128xf32>
    %div3A_60 = arith.constant 1.000000e+04 : f32
    %div3A_61 = vector.broadcast %div3A_60 : f32 to vector<1x128xf32>
    %div3A_62 = arith.divf %broadcast_in_dim3A_59, %div3A_61 : vector<1x128xf32>
    %sub3A_63 = vector.broadcast %div3A_62 : vector<1x128xf32> to vector<10000x128xf32>
    %sub3A_64 = arith.subf %add3A_56, %sub3A_63 : vector<10000x128xf32>
    %sub3A_65 = vector.broadcast %div3A_62 : vector<1x128xf32> to vector<10000x128xf32>
    %sub3A_66 = arith.subf %add3A_56, %sub3A_65 : vector<10000x128xf32>
    %mul3A_67 = arith.mulf %sub3A_64, %sub3A_66 : vector<10000x128xf32>
    %reduce_sum3A_68 = arith.constant dense<0.000000e+00> : vector<128xf32>
    %reduce_sum3A_69 = vector.multi_reduction <add>, %mul3A_67, %reduce_sum3A_68 [0] : vector<10000x128xf32> to vector<128xf32>
    %broadcast_in_dim3A_70 = vector.shape_cast %reduce_sum3A_69 : vector<128xf32> to vector<1x128xf32>
    %div3A_71 = arith.constant 1.000000e+04 : f32
    %div3A_72 = vector.broadcast %div3A_71 : f32 to vector<1x128xf32>
    %div3A_73 = arith.divf %broadcast_in_dim3A_70, %div3A_72 : vector<1x128xf32>
    %sub3A_74 = vector.broadcast %div3A_62 : vector<1x128xf32> to vector<10000x128xf32>
    %sub3A_75 = arith.subf %add3A_56, %sub3A_74 : vector<10000x128xf32>
    %mul3A_76 = vector.broadcast %get3A_19 : vector<1x128xf32> to vector<10000x128xf32>
    %mul3A_77 = arith.mulf %mul3A_76, %sub3A_75 : vector<10000x128xf32>
    %add3A_78 = arith.constant 9.99999974E-6 : f32
    %add3A_79 = vector.broadcast %add3A_78 : f32 to vector<1x128xf32>
    %add3A_80 = arith.addf %div3A_73, %add3A_79 : vector<1x128xf32>
    %rsqrt3A_81 = math.rsqrt %add3A_80 : vector<1x128xf32>
    %mul3A_82 = vector.broadcast %rsqrt3A_81 : vector<1x128xf32> to vector<10000x128xf32>
    %mul3A_83 = arith.mulf %mul3A_77, %mul3A_82 : vector<10000x128xf32>
    %add3A_84 = vector.broadcast %get3A_22 : vector<1x128xf32> to vector<10000x128xf32>
    %add3A_85 = arith.addf %mul3A_83, %add3A_84 : vector<10000x128xf32>
    %max3A_86 = arith.constant 0.000000e+00 : f32
    %max3A_87 = vector.broadcast %max3A_86 : f32 to vector<10000x128xf32>
    %max3A_88 = arith.maximumf %add3A_85, %max3A_87 : vector<10000x128xf32>
    %swap3A = arith.constant 0 : index
    %swap3A_89 = arith.constant 0 : index
    %swap3A_90 = vector.load %arg9[%swap3A, %swap3A_89] : memref<20000x128xf32, #tpu.memory_space<vmem>>, vector<10000x128xf32>
    tpu.vector_store %arg9[%swap3A, %swap3A_89], %max3A_88 {strides = array<i32>} : memref<20000x128xf32, #tpu.memory_space<vmem>>, vector<10000x128xf32>,
    %get3A_91 = arith.constant 10000 : index
    %get3A_92 = arith.constant 0 : index
    %get3A_93 = vector.load %arg0[%get3A_91, %get3A_92] : memref<20000x128xf32, #tpu.memory_space<vmem>>, vector<10000x128xf32>
    %dot_general3A_94 = arith.constant dense<0.000000e+00> : vector<10000x128xf32>
    %dot_general3A_95 = tpu.matmul %get3A_93, %get3A_1, %dot_general3A_94 {dimension_numbers = #tpu.dot_dimension_numbers<[1], [0], [0], [1], [0, 0, 1, 1], [], []>, precision = #tpu.contract_precision<fp32>, transpose_lhs_hint = false} : vector<10000x128xf32>, vector<128x128xf32>, vector<10000x128xf32> -> vector<10000x128xf32>
    %add3A_96 = vector.broadcast %get3A_7 : vector<1x128xf32> to vector<10000x128xf32>
    %add3A_97 = arith.addf %dot_general3A_95, %add3A_96 : vector<10000x128xf32>
    %reduce_sum3A_98 = arith.constant dense<0.000000e+00> : vector<128xf32>
    %reduce_sum3A_99 = vector.multi_reduction <add>, %add3A_97, %reduce_sum3A_98 [0] : vector<10000x128xf32> to vector<128xf32>
    %broadcast_in_dim3A_100 = vector.shape_cast %reduce_sum3A_99 : vector<128xf32> to vector<1x128xf32>
    %div3A_101 = arith.constant 1.000000e+04 : f32
    %div3A_102 = vector.broadcast %div3A_101 : f32 to vector<1x128xf32>
    %div3A_103 = arith.divf %broadcast_in_dim3A_100, %div3A_102 : vector<1x128xf32>
    %sub3A_104 = vector.broadcast %div3A_103 : vector<1x128xf32> to vector<10000x128xf32>
    %sub3A_105 = arith.subf %add3A_97, %sub3A_104 : vector<10000x128xf32>
    %sub3A_106 = vector.broadcast %div3A_103 : vector<1x128xf32> to vector<10000x128xf32>
    %sub3A_107 = arith.subf %add3A_97, %sub3A_106 : vector<10000x128xf32>
    %mul3A_108 = arith.mulf %sub3A_105, %sub3A_107 : vector<10000x128xf32>
    %reduce_sum3A_109 = arith.constant dense<0.000000e+00> : vector<128xf32>
    %reduce_sum3A_110 = vector.multi_reduction <add>, %mul3A_108, %reduce_sum3A_109 [0] : vector<10000x128xf32> to vector<128xf32>
    %broadcast_in_dim3A_111 = vector.shape_cast %reduce_sum3A_110 : vector<128xf32> to vector<1x128xf32>
    %div3A_112 = arith.constant 1.000000e+04 : f32
    %div3A_113 = vector.broadcast %div3A_112 : f32 to vector<1x128xf32>
    %div3A_114 = arith.divf %broadcast_in_dim3A_111, %div3A_113 : vector<1x128xf32>
    %sub3A_115 = vector.broadcast %div3A_103 : vector<1x128xf32> to vector<10000x128xf32>
    %sub3A_116 = arith.subf %add3A_97, %sub3A_115 : vector<10000x128xf32>
    %mul3A_117 = vector.broadcast %get3A_10 : vector<1x128xf32> to vector<10000x128xf32>
    %mul3A_118 = arith.mulf %mul3A_117, %sub3A_116 : vector<10000x128xf32>
    %add3A_119 = arith.constant 9.99999974E-6 : f32
    %add3A_120 = vector.broadcast %add3A_119 : f32 to vector<1x128xf32>
    %add3A_121 = arith.addf %div3A_114, %add3A_120 : vector<1x128xf32>
    %rsqrt3A_122 = math.rsqrt %add3A_121 : vector<1x128xf32>
    %mul3A_123 = vector.broadcast %rsqrt3A_122 : vector<1x128xf32> to vector<10000x128xf32>
    %mul3A_124 = arith.mulf %mul3A_118, %mul3A_123 : vector<10000x128xf32>
    %add3A_125 = vector.broadcast %get3A_13 : vector<1x128xf32> to vector<10000x128xf32>
    %add3A_126 = arith.addf %mul3A_124, %add3A_125 : vector<10000x128xf32>
    %max3A_127 = arith.constant 0.000000e+00 : f32
    %max3A_128 = vector.broadcast %max3A_127 : f32 to vector<10000x128xf32>
    %max3A_129 = arith.maximumf %add3A_126, %max3A_128 : vector<10000x128xf32>
    %dot_general3A_130 = arith.constant dense<0.000000e+00> : vector<10000x128xf32>
    %dot_general3A_131 = tpu.matmul %max3A_129, %get3A_4, %dot_general3A_130 {dimension_numbers = #tpu.dot_dimension_numbers<[1], [0], [0], [1], [0, 0, 1, 1], [], []>, precision = #tpu.contract_precision<fp32>, transpose_lhs_hint = false} : vector<10000x128xf32>, vector<128x128xf32>, vector<10000x128xf32> -> vector<10000x128xf32>
    %add3A_132 = vector.broadcast %get3A_16 : vector<1x128xf32> to vector<10000x128xf32>
    %add3A_133 = arith.addf %dot_general3A_131, %add3A_132 : vector<10000x128xf32>
    %reduce_sum3A_134 = arith.constant dense<0.000000e+00> : vector<128xf32>
    %reduce_sum3A_135 = vector.multi_reduction <add>, %add3A_133, %reduce_sum3A_134 [0] : vector<10000x128xf32> to vector<128xf32>
    %broadcast_in_dim3A_136 = vector.shape_cast %reduce_sum3A_135 : vector<128xf32> to vector<1x128xf32>
    %div3A_137 = arith.constant 1.000000e+04 : f32
    %div3A_138 = vector.broadcast %div3A_137 : f32 to vector<1x128xf32>
    %div3A_139 = arith.divf %broadcast_in_dim3A_136, %div3A_138 : vector<1x128xf32>
    %sub3A_140 = vector.broadcast %div3A_139 : vector<1x128xf32> to vector<10000x128xf32>
    %sub3A_141 = arith.subf %add3A_133, %sub3A_140 : vector<10000x128xf32>
    %sub3A_142 = vector.broadcast %div3A_139 : vector<1x128xf32> to vector<10000x128xf32>
    %sub3A_143 = arith.subf %add3A_133, %sub3A_142 : vector<10000x128xf32>
    %mul3A_144 = arith.mulf %sub3A_141, %sub3A_143 : vector<10000x128xf32>
    %reduce_sum3A_145 = arith.constant dense<0.000000e+00> : vector<128xf32>
    %reduce_sum3A_146 = vector.multi_reduction <add>, %mul3A_144, %reduce_sum3A_145 [0] : vector<10000x128xf32> to vector<128xf32>
    %broadcast_in_dim3A_147 = vector.shape_cast %reduce_sum3A_146 : vector<128xf32> to vector<1x128xf32>
    %div3A_148 = arith.constant 1.000000e+04 : f32
    %div3A_149 = vector.broadcast %div3A_148 : f32 to vector<1x128xf32>
    %div3A_150 = arith.divf %broadcast_in_dim3A_147, %div3A_149 : vector<1x128xf32>
    %sub3A_151 = vector.broadcast %div3A_139 : vector<1x128xf32> to vector<10000x128xf32>
    %sub3A_152 = arith.subf %add3A_133, %sub3A_151 : vector<10000x128xf32>
    %mul3A_153 = vector.broadcast %get3A_19 : vector<1x128xf32> to vector<10000x128xf32>
    %mul3A_154 = arith.mulf %mul3A_153, %sub3A_152 : vector<10000x128xf32>
    %add3A_155 = arith.constant 9.99999974E-6 : f32
    %add3A_156 = vector.broadcast %add3A_155 : f32 to vector<1x128xf32>
    %add3A_157 = arith.addf %div3A_150, %add3A_156 : vector<1x128xf32>
    %rsqrt3A_158 = math.rsqrt %add3A_157 : vector<1x128xf32>
    %mul3A_159 = vector.broadcast %rsqrt3A_158 : vector<1x128xf32> to vector<10000x128xf32>
    %mul3A_160 = arith.mulf %mul3A_154, %mul3A_159 : vector<10000x128xf32>
    %add3A_161 = vector.broadcast %get3A_22 : vector<1x128xf32> to vector<10000x128xf32>
    %add3A_162 = arith.addf %mul3A_160, %add3A_161 : vector<10000x128xf32>
    %max3A_163 = arith.constant 0.000000e+00 : f32
    %max3A_164 = vector.broadcast %max3A_163 : f32 to vector<10000x128xf32>
    %max3A_165 = arith.maximumf %add3A_162, %max3A_164 : vector<10000x128xf32>
    %swap3A_166 = arith.constant 10000 : index
    %swap3A_167 = arith.constant 0 : index
    %swap3A_168 = vector.load %arg9[%swap3A_166, %swap3A_167] : memref<20000x128xf32, #tpu.memory_space<vmem>>, vector<10000x128xf32>
    tpu.vector_store %arg9[%swap3A_166, %swap3A_167], %max3A_165 {strides = array<i32>} : memref<20000x128xf32, #tpu.memory_space<vmem>>, vector<10000x128xf32>,
    return
  }
}

module attributes {stable_mosaic.version = 14 : i64} {
  func.func @_dense2_loss_body(%arg0: memref<20000x128xf32, #tpu.memory_space<vmem>>, %arg1: memref<128x128xf32, #tpu.memory_space<vmem>>, %arg2: memref<1x128xf32, #tpu.memory_space<vmem>>, %arg3: memref<1x128xf32, #tpu.memory_space<vmem>>, %arg4: memref<1x128xf32, #tpu.memory_space<vmem>>, %arg5: memref<128x128xf32, #tpu.memory_space<vmem>>, %arg6: memref<1x128xf32, #tpu.memory_space<vmem>>, %arg7: memref<1x128xf32, #tpu.memory_space<vmem>>, %arg8: memref<1x128xf32, #tpu.memory_space<vmem>>, %arg9: memref<1x10000xf32, #tpu.memory_space<vmem>>, %arg10: memref<10000x1xf32, #tpu.memory_space<vmem>>, %arg11: memref<10000x1xf32, #tpu.memory_space<vmem>>, %arg12: memref<10000x1xf32, #tpu.memory_space<vmem>>, %arg13: memref<10000x1xf32, #tpu.memory_space<vmem>>, %arg14: memref<128x128xf32, #tpu.memory_space<vmem>>, %arg15: memref<1x1xf32, #tpu.memory_space<vmem>>, %arg16: memref<1x1xf32, #tpu.memory_space<vmem>>) attributes {dimension_semantics = [], scalar_prefetch = 0 : i64, scratch_operands = 0 : i64, tpu.core_type = #tpu.core_type<tc>} {
    %get3A = arith.constant 0 : index
    %get3A_0 = arith.constant 0 : index
    %get3A_1 = vector.load %arg1[%get3A, %get3A_0] : memref<128x128xf32, #tpu.memory_space<vmem>>, vector<128x128xf32>
    %get3A_2 = arith.constant 0 : index
    %get3A_3 = arith.constant 0 : index
    %get3A_4 = vector.load %arg5[%get3A_2, %get3A_3] : memref<128x128xf32, #tpu.memory_space<vmem>>, vector<128x128xf32>
    %get3A_5 = arith.constant 0 : index
    %get3A_6 = arith.constant 0 : index
    %get3A_7 = vector.load %arg2[%get3A_5, %get3A_6] : memref<1x128xf32, #tpu.memory_space<vmem>>, vector<1x128xf32>
    %get3A_8 = arith.constant 0 : index
    %get3A_9 = arith.constant 0 : index
    %get3A_10 = vector.load %arg3[%get3A_8, %get3A_9] : memref<1x128xf32, #tpu.memory_space<vmem>>, vector<1x128xf32>
    %get3A_11 = arith.constant 0 : index
    %get3A_12 = arith.constant 0 : index
    %get3A_13 = vector.load %arg4[%get3A_11, %get3A_12] : memref<1x128xf32, #tpu.memory_space<vmem>>, vector<1x128xf32>
    %get3A_14 = arith.constant 0 : index
    %get3A_15 = arith.constant 0 : index
    %get3A_16 = vector.load %arg6[%get3A_14, %get3A_15] : memref<1x128xf32, #tpu.memory_space<vmem>>, vector<1x128xf32>
    %get3A_17 = arith.constant 0 : index
    %get3A_18 = arith.constant 0 : index
    %get3A_19 = vector.load %arg7[%get3A_17, %get3A_18] : memref<1x128xf32, #tpu.memory_space<vmem>>, vector<1x128xf32>
    %get3A_20 = arith.constant 0 : index
    %get3A_21 = arith.constant 0 : index
    %get3A_22 = vector.load %arg8[%get3A_20, %get3A_21] : memref<1x128xf32, #tpu.memory_space<vmem>>, vector<1x128xf32>
    %get3A_23 = arith.constant 0 : index
    %get3A_24 = arith.constant 0 : index
    %get3A_25 = vector.load %arg15[%get3A_23, %get3A_24] : memref<1x1xf32, #tpu.memory_space<vmem>>, vector<1x1xf32>
    %get3A_26 = vector.extract %get3A_25[0, 0] : f32 from vector<1x1xf32>
    %get3A_27 = arith.constant 0 : index
    %get3A_28 = arith.constant 0 : index
    %get3A_29 = vector.load %arg9[%get3A_27, %get3A_28] : memref<1x10000xf32, #tpu.memory_space<vmem>>, vector<1x10000xf32>
    %get3A_30 = arith.constant 0 : index
    %get3A_31 = arith.constant 0 : index
    %get3A_32 = vector.load %arg0[%get3A_30, %get3A_31] : memref<20000x128xf32, #tpu.memory_space<vmem>>, vector<10000x128xf32>
    %dot_general3A = arith.constant dense<0.000000e+00> : vector<10000x128xf32>
    %dot_general3A_33 = tpu.matmul %get3A_32, %get3A_1, %dot_general3A {dimension_numbers = #tpu.dot_dimension_numbers<[1], [0], [0], [1], [0, 0, 1, 1], [], []>, precision = #tpu.contract_precision<fp32>, transpose_lhs_hint = false} : vector<10000x128xf32>, vector<128x128xf32>, vector<10000x128xf32> -> vector<10000x128xf32>
    %add3A = vector.broadcast %get3A_7 : vector<1x128xf32> to vector<10000x128xf32>
    %add3A_34 = arith.addf %dot_general3A_33, %add3A : vector<10000x128xf32>
    %reduce_sum3A = arith.constant dense<0.000000e+00> : vector<128xf32>
    %reduce_sum3A_35 = vector.multi_reduction <add>, %add3A_34, %reduce_sum3A [0] : vector<10000x128xf32> to vector<128xf32>
    %broadcast_in_dim3A = vector.shape_cast %reduce_sum3A_35 : vector<128xf32> to vector<1x128xf32>
    %div3A = arith.constant 1.000000e+04 : f32
    %div3A_36 = vector.broadcast %div3A : f32 to vector<1x128xf32>
    %div3A_37 = arith.divf %broadcast_in_dim3A, %div3A_36 : vector<1x128xf32>
    %sub3A = vector.broadcast %div3A_37 : vector<1x128xf32> to vector<10000x128xf32>
    %sub3A_38 = arith.subf %add3A_34, %sub3A : vector<10000x128xf32>
    %sub3A_39 = vector.broadcast %div3A_37 : vector<1x128xf32> to vector<10000x128xf32>
    %sub3A_40 = arith.subf %add3A_34, %sub3A_39 : vector<10000x128xf32>
    %mul3A = arith.mulf %sub3A_38, %sub3A_40 : vector<10000x128xf32>
    %reduce_sum3A_41 = arith.constant dense<0.000000e+00> : vector<128xf32>
    %reduce_sum3A_42 = vector.multi_reduction <add>, %mul3A, %reduce_sum3A_41 [0] : vector<10000x128xf32> to vector<128xf32>
    %broadcast_in_dim3A_43 = vector.shape_cast %reduce_sum3A_42 : vector<128xf32> to vector<1x128xf32>
    %div3A_44 = arith.constant 1.000000e+04 : f32
    %div3A_45 = vector.broadcast %div3A_44 : f32 to vector<1x128xf32>
    %div3A_46 = arith.divf %broadcast_in_dim3A_43, %div3A_45 : vector<1x128xf32>
    %sub3A_47 = vector.broadcast %div3A_37 : vector<1x128xf32> to vector<10000x128xf32>
    %sub3A_48 = arith.subf %add3A_34, %sub3A_47 : vector<10000x128xf32>
    %mul3A_49 = vector.broadcast %get3A_10 : vector<1x128xf32> to vector<10000x128xf32>
    %mul3A_50 = arith.mulf %mul3A_49, %sub3A_48 : vector<10000x128xf32>
    %add3A_51 = arith.constant 9.99999974E-6 : f32
    %add3A_52 = vector.broadcast %add3A_51 : f32 to vector<1x128xf32>
    %add3A_53 = arith.addf %div3A_46, %add3A_52 : vector<1x128xf32>
    %rsqrt3A = math.rsqrt %add3A_53 : vector<1x128xf32>
    %mul3A_54 = vector.broadcast %rsqrt3A : vector<1x128xf32> to vector<10000x128xf32>
    %mul3A_55 = arith.mulf %mul3A_50, %mul3A_54 : vector<10000x128xf32>
    %add3A_56 = vector.broadcast %get3A_13 : vector<1x128xf32> to vector<10000x128xf32>
    %add3A_57 = arith.addf %mul3A_55, %add3A_56 : vector<10000x128xf32>
    %max3A = arith.constant 0.000000e+00 : f32
    %max3A_58 = vector.broadcast %max3A : f32 to vector<10000x128xf32>
    %max3A_59 = arith.maximumf %add3A_57, %max3A_58 : vector<10000x128xf32>
    %dot_general3A_60 = arith.constant dense<0.000000e+00> : vector<10000x128xf32>
    %dot_general3A_61 = tpu.matmul %max3A_59, %get3A_4, %dot_general3A_60 {dimension_numbers = #tpu.dot_dimension_numbers<[1], [0], [0], [1], [0, 0, 1, 1], [], []>, precision = #tpu.contract_precision<fp32>, transpose_lhs_hint = false} : vector<10000x128xf32>, vector<128x128xf32>, vector<10000x128xf32> -> vector<10000x128xf32>
    %add3A_62 = vector.broadcast %get3A_16 : vector<1x128xf32> to vector<10000x128xf32>
    %add3A_63 = arith.addf %dot_general3A_61, %add3A_62 : vector<10000x128xf32>
    %reduce_sum3A_64 = arith.constant dense<0.000000e+00> : vector<128xf32>
    %reduce_sum3A_65 = vector.multi_reduction <add>, %add3A_63, %reduce_sum3A_64 [0] : vector<10000x128xf32> to vector<128xf32>
    %broadcast_in_dim3A_66 = vector.shape_cast %reduce_sum3A_65 : vector<128xf32> to vector<1x128xf32>
    %div3A_67 = arith.constant 1.000000e+04 : f32
    %div3A_68 = vector.broadcast %div3A_67 : f32 to vector<1x128xf32>
    %div3A_69 = arith.divf %broadcast_in_dim3A_66, %div3A_68 : vector<1x128xf32>
    %sub3A_70 = vector.broadcast %div3A_69 : vector<1x128xf32> to vector<10000x128xf32>
    %sub3A_71 = arith.subf %add3A_63, %sub3A_70 : vector<10000x128xf32>
    %sub3A_72 = vector.broadcast %div3A_69 : vector<1x128xf32> to vector<10000x128xf32>
    %sub3A_73 = arith.subf %add3A_63, %sub3A_72 : vector<10000x128xf32>
    %mul3A_74 = arith.mulf %sub3A_71, %sub3A_73 : vector<10000x128xf32>
    %reduce_sum3A_75 = arith.constant dense<0.000000e+00> : vector<128xf32>
    %reduce_sum3A_76 = vector.multi_reduction <add>, %mul3A_74, %reduce_sum3A_75 [0] : vector<10000x128xf32> to vector<128xf32>
    %broadcast_in_dim3A_77 = vector.shape_cast %reduce_sum3A_76 : vector<128xf32> to vector<1x128xf32>
    %div3A_78 = arith.constant 1.000000e+04 : f32
    %div3A_79 = vector.broadcast %div3A_78 : f32 to vector<1x128xf32>
    %div3A_80 = arith.divf %broadcast_in_dim3A_77, %div3A_79 : vector<1x128xf32>
    %sub3A_81 = vector.broadcast %div3A_69 : vector<1x128xf32> to vector<10000x128xf32>
    %sub3A_82 = arith.subf %add3A_63, %sub3A_81 : vector<10000x128xf32>
    %mul3A_83 = vector.broadcast %get3A_19 : vector<1x128xf32> to vector<10000x128xf32>
    %mul3A_84 = arith.mulf %mul3A_83, %sub3A_82 : vector<10000x128xf32>
    %add3A_85 = arith.constant 9.99999974E-6 : f32
    %add3A_86 = vector.broadcast %add3A_85 : f32 to vector<1x128xf32>
    %add3A_87 = arith.addf %div3A_80, %add3A_86 : vector<1x128xf32>
    %rsqrt3A_88 = math.rsqrt %add3A_87 : vector<1x128xf32>
    %mul3A_89 = vector.broadcast %rsqrt3A_88 : vector<1x128xf32> to vector<10000x128xf32>
    %mul3A_90 = arith.mulf %mul3A_84, %mul3A_89 : vector<10000x128xf32>
    %add3A_91 = vector.broadcast %get3A_22 : vector<1x128xf32> to vector<10000x128xf32>
    %add3A_92 = arith.addf %mul3A_90, %add3A_91 : vector<10000x128xf32>
    %max3A_93 = arith.constant 0.000000e+00 : f32
    %max3A_94 = vector.broadcast %max3A_93 : f32 to vector<10000x128xf32>
    %max3A_95 = arith.maximumf %add3A_92, %max3A_94 : vector<10000x128xf32>
    %dot_general3A_96 = arith.constant dense<0.000000e+00> : vector<1x128xf32>
    %dot_general3A_97 = tpu.matmul %get3A_29, %max3A_95, %dot_general3A_96 {dimension_numbers = #tpu.dot_dimension_numbers<[1], [0], [0], [1], [0, 0, 1, 1], [], []>, precision = #tpu.contract_precision<fp32>, transpose_lhs_hint = false} : vector<1x10000xf32>, vector<10000x128xf32>, vector<1x128xf32> -> vector<1x128xf32>
    %reduce_sum3A_98 = vector.shape_cast %get3A_29 : vector<1x10000xf32> to vector<1x1x10000xf32>
    %reduce_sum3A_99 = arith.constant dense<0.000000e+00> : vector<1xf32>
    %reduce_sum3A_100 = vector.multi_reduction <add>, %reduce_sum3A_98, %reduce_sum3A_99 [1, 2] : vector<1x1x10000xf32> to vector<1xf32>
    %reduce_sum3A_101 = vector.shape_cast %reduce_sum3A_100 : vector<1xf32> to vector<1x1x1xf32>
    %reduce_sum3A_102 = vector.extract %reduce_sum3A_101[0, 0, 0] : f32 from vector<1x1x1xf32>
    %div3A_103 = vector.broadcast %reduce_sum3A_102 : f32 to vector<1x128xf32>
    %div3A_104 = arith.divf %dot_general3A_97, %div3A_103 : vector<1x128xf32>
    %neg3A = arith.constant 0.000000e+00 : f32
    %neg3A_105 = vector.broadcast %neg3A : f32 to vector<1x128xf32>
    %neg3A_106 = arith.subf %neg3A_105, %div3A_104 : vector<1x128xf32>
    %exp3A = math.exp %neg3A_106 : vector<1x128xf32>
    %add3A_107 = arith.constant 1.000000e+00 : f32
    %add3A_108 = vector.broadcast %add3A_107 : f32 to vector<1x128xf32>
    %add3A_109 = arith.addf %add3A_108, %exp3A : vector<1x128xf32>
    %div3A_110 = arith.constant 1.000000e+00 : f32
    %div3A_111 = vector.broadcast %div3A_110 : f32 to vector<1x128xf32>
    %div3A_112 = arith.divf %div3A_111, %add3A_109 : vector<1x128xf32>
    %get3A_113 = arith.constant 0 : index
    %get3A_114 = arith.constant 0 : index
    %get3A_115 = vector.load %arg14[%get3A_113, %get3A_114] : memref<128x128xf32, #tpu.memory_space<vmem>>, vector<128x128xf32>
    %dot_general3A_116 = arith.constant dense<0.000000e+00> : vector<1x128xf32>
    %dot_general3A_117 = tpu.matmul %div3A_112, %get3A_115, %dot_general3A_116 {dimension_numbers = #tpu.dot_dimension_numbers<[1], [0], [0], [1], [0, 0, 1, 1], [], []>, precision = #tpu.contract_precision<fp32>, transpose_lhs_hint = false} : vector<1x128xf32>, vector<128x128xf32>, vector<1x128xf32> -> vector<1x128xf32>
    %mul3A_118 = vector.broadcast %dot_general3A_117 : vector<1x128xf32> to vector<10000x128xf32>
    %mul3A_119 = arith.mulf %max3A_95, %mul3A_118 : vector<10000x128xf32>
    %reduce_sum3A_120 = arith.constant dense<0.000000e+00> : vector<10000xf32>
    %reduce_sum3A_121 = vector.multi_reduction <add>, %mul3A_119, %reduce_sum3A_120 [1] : vector<10000x128xf32> to vector<10000xf32>
    %broadcast_in_dim3A_122 = vector.shape_cast %reduce_sum3A_121 : vector<10000xf32> to vector<10000x1xf32>
    %add3A_123 = vector.broadcast %get3A_26 : f32 to vector<10000x1xf32>
    %add3A_124 = arith.addf %broadcast_in_dim3A_122, %add3A_123 : vector<10000x1xf32>
    %get3A_125 = arith.constant 0 : index
    %get3A_126 = arith.constant 0 : index
    %get3A_127 = vector.load %arg10[%get3A_125, %get3A_126] : memref<10000x1xf32, #tpu.memory_space<vmem>>, vector<10000x1xf32>
    %add3A_128 = arith.addf %add3A_124, %get3A_127 : vector<10000x1xf32>
    %get3A_129 = arith.constant 0 : index
    %get3A_130 = arith.constant 0 : index
    %get3A_131 = vector.load %arg12[%get3A_129, %get3A_130] : memref<10000x1xf32, #tpu.memory_space<vmem>>, vector<10000x1xf32>
    %max3A_132 = arith.constant 0.000000e+00 : f32
    %max3A_133 = vector.broadcast %max3A_132 : f32 to vector<10000x1xf32>
    %max3A_134 = arith.maximumf %add3A_128, %max3A_133 : vector<10000x1xf32>
    %mul3A_135 = arith.mulf %add3A_128, %get3A_131 : vector<10000x1xf32>
    %sub3A_136 = arith.subf %max3A_134, %mul3A_135 : vector<10000x1xf32>
    %abs3A = math.absf %add3A_128 : vector<10000x1xf32>
    %neg3A_137 = arith.constant 0.000000e+00 : f32
    %neg3A_138 = vector.broadcast %neg3A_137 : f32 to vector<10000x1xf32>
    %neg3A_139 = arith.subf %neg3A_138, %abs3A : vector<10000x1xf32>
    %exp3A_140 = math.exp %neg3A_139 : vector<10000x1xf32>
    %log1p3A = math.log1p %exp3A_140 : vector<10000x1xf32>
    %add3A_141 = arith.addf %sub3A_136, %log1p3A : vector<10000x1xf32>
    %reduce_sum3A_142 = vector.shape_cast %add3A_141 : vector<10000x1xf32> to vector<1x10000x1xf32>
    %reduce_sum3A_143 = arith.constant dense<0.000000e+00> : vector<1xf32>
    %reduce_sum3A_144 = vector.multi_reduction <add>, %reduce_sum3A_142, %reduce_sum3A_143 [1, 2] : vector<1x10000x1xf32> to vector<1xf32>
    %reduce_sum3A_145 = vector.shape_cast %reduce_sum3A_144 : vector<1xf32> to vector<1x1x1xf32>
    %reduce_sum3A_146 = vector.extract %reduce_sum3A_145[0, 0, 0] : f32 from vector<1x1x1xf32>
    %get3A_147 = arith.constant 10000 : index
    %get3A_148 = arith.constant 0 : index
    %get3A_149 = vector.load %arg0[%get3A_147, %get3A_148] : memref<20000x128xf32, #tpu.memory_space<vmem>>, vector<10000x128xf32>
    %dot_general3A_150 = arith.constant dense<0.000000e+00> : vector<10000x128xf32>
    %dot_general3A_151 = tpu.matmul %get3A_149, %get3A_1, %dot_general3A_150 {dimension_numbers = #tpu.dot_dimension_numbers<[1], [0], [0], [1], [0, 0, 1, 1], [], []>, precision = #tpu.contract_precision<fp32>, transpose_lhs_hint = false} : vector<10000x128xf32>, vector<128x128xf32>, vector<10000x128xf32> -> vector<10000x128xf32>
    %add3A_152 = vector.broadcast %get3A_7 : vector<1x128xf32> to vector<10000x128xf32>
    %add3A_153 = arith.addf %dot_general3A_151, %add3A_152 : vector<10000x128xf32>
    %reduce_sum3A_154 = arith.constant dense<0.000000e+00> : vector<128xf32>
    %reduce_sum3A_155 = vector.multi_reduction <add>, %add3A_153, %reduce_sum3A_154 [0] : vector<10000x128xf32> to vector<128xf32>
    %broadcast_in_dim3A_156 = vector.shape_cast %reduce_sum3A_155 : vector<128xf32> to vector<1x128xf32>
    %div3A_157 = arith.constant 1.000000e+04 : f32
    %div3A_158 = vector.broadcast %div3A_157 : f32 to vector<1x128xf32>
    %div3A_159 = arith.divf %broadcast_in_dim3A_156, %div3A_158 : vector<1x128xf32>
    %sub3A_160 = vector.broadcast %div3A_159 : vector<1x128xf32> to vector<10000x128xf32>
    %sub3A_161 = arith.subf %add3A_153, %sub3A_160 : vector<10000x128xf32>
    %sub3A_162 = vector.broadcast %div3A_159 : vector<1x128xf32> to vector<10000x128xf32>
    %sub3A_163 = arith.subf %add3A_153, %sub3A_162 : vector<10000x128xf32>
    %mul3A_164 = arith.mulf %sub3A_161, %sub3A_163 : vector<10000x128xf32>
    %reduce_sum3A_165 = arith.constant dense<0.000000e+00> : vector<128xf32>
    %reduce_sum3A_166 = vector.multi_reduction <add>, %mul3A_164, %reduce_sum3A_165 [0] : vector<10000x128xf32> to vector<128xf32>
    %broadcast_in_dim3A_167 = vector.shape_cast %reduce_sum3A_166 : vector<128xf32> to vector<1x128xf32>
    %div3A_168 = arith.constant 1.000000e+04 : f32
    %div3A_169 = vector.broadcast %div3A_168 : f32 to vector<1x128xf32>
    %div3A_170 = arith.divf %broadcast_in_dim3A_167, %div3A_169 : vector<1x128xf32>
    %sub3A_171 = vector.broadcast %div3A_159 : vector<1x128xf32> to vector<10000x128xf32>
    %sub3A_172 = arith.subf %add3A_153, %sub3A_171 : vector<10000x128xf32>
    %mul3A_173 = vector.broadcast %get3A_10 : vector<1x128xf32> to vector<10000x128xf32>
    %mul3A_174 = arith.mulf %mul3A_173, %sub3A_172 : vector<10000x128xf32>
    %add3A_175 = arith.constant 9.99999974E-6 : f32
    %add3A_176 = vector.broadcast %add3A_175 : f32 to vector<1x128xf32>
    %add3A_177 = arith.addf %div3A_170, %add3A_176 : vector<1x128xf32>
    %rsqrt3A_178 = math.rsqrt %add3A_177 : vector<1x128xf32>
    %mul3A_179 = vector.broadcast %rsqrt3A_178 : vector<1x128xf32> to vector<10000x128xf32>
    %mul3A_180 = arith.mulf %mul3A_174, %mul3A_179 : vector<10000x128xf32>
    %add3A_181 = vector.broadcast %get3A_13 : vector<1x128xf32> to vector<10000x128xf32>
    %add3A_182 = arith.addf %mul3A_180, %add3A_181 : vector<10000x128xf32>
    %max3A_183 = arith.constant 0.000000e+00 : f32
    %max3A_184 = vector.broadcast %max3A_183 : f32 to vector<10000x128xf32>
    %max3A_185 = arith.maximumf %add3A_182, %max3A_184 : vector<10000x128xf32>
    %dot_general3A_186 = arith.constant dense<0.000000e+00> : vector<10000x128xf32>
    %dot_general3A_187 = tpu.matmul %max3A_185, %get3A_4, %dot_general3A_186 {dimension_numbers = #tpu.dot_dimension_numbers<[1], [0], [0], [1], [0, 0, 1, 1], [], []>, precision = #tpu.contract_precision<fp32>, transpose_lhs_hint = false} : vector<10000x128xf32>, vector<128x128xf32>, vector<10000x128xf32> -> vector<10000x128xf32>
    %add3A_188 = vector.broadcast %get3A_16 : vector<1x128xf32> to vector<10000x128xf32>
    %add3A_189 = arith.addf %dot_general3A_187, %add3A_188 : vector<10000x128xf32>
    %reduce_sum3A_190 = arith.constant dense<0.000000e+00> : vector<128xf32>
    %reduce_sum3A_191 = vector.multi_reduction <add>, %add3A_189, %reduce_sum3A_190 [0] : vector<10000x128xf32> to vector<128xf32>
    %broadcast_in_dim3A_192 = vector.shape_cast %reduce_sum3A_191 : vector<128xf32> to vector<1x128xf32>
    %div3A_193 = arith.constant 1.000000e+04 : f32
    %div3A_194 = vector.broadcast %div3A_193 : f32 to vector<1x128xf32>
    %div3A_195 = arith.divf %broadcast_in_dim3A_192, %div3A_194 : vector<1x128xf32>
    %sub3A_196 = vector.broadcast %div3A_195 : vector<1x128xf32> to vector<10000x128xf32>
    %sub3A_197 = arith.subf %add3A_189, %sub3A_196 : vector<10000x128xf32>
    %sub3A_198 = vector.broadcast %div3A_195 : vector<1x128xf32> to vector<10000x128xf32>
    %sub3A_199 = arith.subf %add3A_189, %sub3A_198 : vector<10000x128xf32>
    %mul3A_200 = arith.mulf %sub3A_197, %sub3A_199 : vector<10000x128xf32>
    %reduce_sum3A_201 = arith.constant dense<0.000000e+00> : vector<128xf32>
    %reduce_sum3A_202 = vector.multi_reduction <add>, %mul3A_200, %reduce_sum3A_201 [0] : vector<10000x128xf32> to vector<128xf32>
    %broadcast_in_dim3A_203 = vector.shape_cast %reduce_sum3A_202 : vector<128xf32> to vector<1x128xf32>
    %div3A_204 = arith.constant 1.000000e+04 : f32
    %div3A_205 = vector.broadcast %div3A_204 : f32 to vector<1x128xf32>
    %div3A_206 = arith.divf %broadcast_in_dim3A_203, %div3A_205 : vector<1x128xf32>
    %sub3A_207 = vector.broadcast %div3A_195 : vector<1x128xf32> to vector<10000x128xf32>
    %sub3A_208 = arith.subf %add3A_189, %sub3A_207 : vector<10000x128xf32>
    %mul3A_209 = vector.broadcast %get3A_19 : vector<1x128xf32> to vector<10000x128xf32>
    %mul3A_210 = arith.mulf %mul3A_209, %sub3A_208 : vector<10000x128xf32>
    %add3A_211 = arith.constant 9.99999974E-6 : f32
    %add3A_212 = vector.broadcast %add3A_211 : f32 to vector<1x128xf32>
    %add3A_213 = arith.addf %div3A_206, %add3A_212 : vector<1x128xf32>
    %rsqrt3A_214 = math.rsqrt %add3A_213 : vector<1x128xf32>
    %mul3A_215 = vector.broadcast %rsqrt3A_214 : vector<1x128xf32> to vector<10000x128xf32>
    %mul3A_216 = arith.mulf %mul3A_210, %mul3A_215 : vector<10000x128xf32>
    %add3A_217 = vector.broadcast %get3A_22 : vector<1x128xf32> to vector<10000x128xf32>
    %add3A_218 = arith.addf %mul3A_216, %add3A_217 : vector<10000x128xf32>
    %max3A_219 = arith.constant 0.000000e+00 : f32
    %max3A_220 = vector.broadcast %max3A_219 : f32 to vector<10000x128xf32>
    %max3A_221 = arith.maximumf %add3A_218, %max3A_220 : vector<10000x128xf32>
    %mul3A_222 = vector.broadcast %dot_general3A_117 : vector<1x128xf32> to vector<10000x128xf32>
    %mul3A_223 = arith.mulf %max3A_221, %mul3A_222 : vector<10000x128xf32>
    %reduce_sum3A_224 = arith.constant dense<0.000000e+00> : vector<10000xf32>
    %reduce_sum3A_225 = vector.multi_reduction <add>, %mul3A_223, %reduce_sum3A_224 [1] : vector<10000x128xf32> to vector<10000xf32>
    %broadcast_in_dim3A_226 = vector.shape_cast %reduce_sum3A_225 : vector<10000xf32> to vector<10000x1xf32>
    %add3A_227 = vector.broadcast %get3A_26 : f32 to vector<10000x1xf32>
    %add3A_228 = arith.addf %broadcast_in_dim3A_226, %add3A_227 : vector<10000x1xf32>
    %get3A_229 = arith.constant 0 : index
    %get3A_230 = arith.constant 0 : index
    %get3A_231 = vector.load %arg11[%get3A_229, %get3A_230] : memref<10000x1xf32, #tpu.memory_space<vmem>>, vector<10000x1xf32>
    %add3A_232 = arith.addf %add3A_228, %get3A_231 : vector<10000x1xf32>
    %get3A_233 = arith.constant 0 : index
    %get3A_234 = arith.constant 0 : index
    %get3A_235 = vector.load %arg13[%get3A_233, %get3A_234] : memref<10000x1xf32, #tpu.memory_space<vmem>>, vector<10000x1xf32>
    %max3A_236 = arith.constant 0.000000e+00 : f32
    %max3A_237 = vector.broadcast %max3A_236 : f32 to vector<10000x1xf32>
    %max3A_238 = arith.maximumf %add3A_232, %max3A_237 : vector<10000x1xf32>
    %mul3A_239 = arith.mulf %add3A_232, %get3A_235 : vector<10000x1xf32>
    %sub3A_240 = arith.subf %max3A_238, %mul3A_239 : vector<10000x1xf32>
    %abs3A_241 = math.absf %add3A_232 : vector<10000x1xf32>
    %neg3A_242 = arith.constant 0.000000e+00 : f32
    %neg3A_243 = vector.broadcast %neg3A_242 : f32 to vector<10000x1xf32>
    %neg3A_244 = arith.subf %neg3A_243, %abs3A_241 : vector<10000x1xf32>
    %exp3A_245 = math.exp %neg3A_244 : vector<10000x1xf32>
    %log1p3A_246 = math.log1p %exp3A_245 : vector<10000x1xf32>
    %add3A_247 = arith.addf %sub3A_240, %log1p3A_246 : vector<10000x1xf32>
    %reduce_sum3A_248 = vector.shape_cast %add3A_247 : vector<10000x1xf32> to vector<1x10000x1xf32>
    %reduce_sum3A_249 = arith.constant dense<0.000000e+00> : vector<1xf32>
    %reduce_sum3A_250 = vector.multi_reduction <add>, %reduce_sum3A_248, %reduce_sum3A_249 [1, 2] : vector<1x10000x1xf32> to vector<1xf32>
    %reduce_sum3A_251 = vector.shape_cast %reduce_sum3A_250 : vector<1xf32> to vector<1x1x1xf32>
    %reduce_sum3A_252 = vector.extract %reduce_sum3A_251[0, 0, 0] : f32 from vector<1x1x1xf32>
    %add3A_253 = arith.addf %reduce_sum3A_146, %reduce_sum3A_252 : f32
    %div3A_254 = arith.constant 2.000000e+04 : f32
    %div3A_255 = arith.divf %add3A_253, %div3A_254 : f32
    %reshape3A = vector.broadcast %div3A_255 : f32 to vector<1x1xf32>
    %swap3A = arith.constant 0 : index
    %swap3A_256 = arith.constant 0 : index
    %swap3A_257 = vector.load %arg16[%swap3A, %swap3A_256] : memref<1x1xf32, #tpu.memory_space<vmem>>, vector<1x1xf32>
    tpu.vector_store %arg16[%swap3A, %swap3A_256], %reshape3A {strides = array<i32>} : memref<1x1xf32, #tpu.memory_space<vmem>>, vector<1x1xf32>,
    return
  }
}

</mosaic_0001>

<sc_bundles>
// kernel: kernel.6.cloned.1.call-start
scs
__scs_entry_jumppad:
0x0: {  	(pc) =	sbr.rel $0x88, $3  }
0x1: {  	(tag) =	ssettag $0x0;
	lr =	simm.s32 $0x1  }
0x2: {  	[smem:$0x3F88] =	sst lr;
	_ =	strace $0xD0000000  }
0x3: {  	_ = 	snop  }
0x4: {  	_ = 	snop  }
0x5: {  	_ = 	snop  }
0x6: {  	_ = 	snop  }
0x7: {  	_ = 	snop  }
__scs_overlays_trampoline_lowered:
0x8: {  	[smem:$0x3F97] =	sst s0  }
0x9: {  	[smem:$0x3F98] =	sst s1  }
0xa: {  	[smem:$0x3F99] =	sst s2  }
0xb: {  	[smem:$0x3F9A] =	sst s3  }
0xc: {  	[smem:$0x3F9B] =	sst s4  }
0xd: {  	[smem:$0x3F9C] =	sst s5  }
0xe: {  	[smem:$0x3F9D] =	sst s6  }
0xf: {  	[smem:$0x3F9E] =	sst s7  }
0x10: {  	[smem:$0x3F9F] =	sst s8  }
0x11: {  	[smem:$0x3FA0] =	sst s9;
	s0 =	simm.s32 @!p0 $0x0  }
0x12: {  	s1 =	sld [smem:$0x3F86];
	s0 =	simm.s32 @p0 $0x1  }
0x13: {  	[smem:$0x3FA1] =	sst s0;
	s0 =	simm.s32 @!p1 $0x0  }
0x14: {  	s2 =	sld [smem:$0x3F85];
	s0 =	simm.s32 @p1 $0x1  }
0x15: {  	[smem:$0x3FA2] =	sst s0;
	s0 =	simm.s32 @!p2 $0x0  }
0x16: {  	s3 =	sld [smem:$0x3FDB];
	s0 =	simm.s32 @p2 $0x1  }
0x17: {  	s4 =	simm.s32 $0x1BF5;
	[smem:$0x3FA4] =	sst s0  }
0x18: {  	s0 =	sld [smem:$0x3F87];
	_ =	swait.ge [sflag:s4], $0x0  }
0x19: {  	s7 =	sld [smem:$0x3F88]  }
0x1a: {  	s8 =	sadd.s32 $0xFFFFE003, lr  }
0x1b: {  	s9 =	sadd.s32 $0xFFFFFEF7, lr;
	s5 =	simm.s32 $0xFFFFFFFF;
	p2 =	slt.u32 s8, $0xFFFFF086  }
0x1c: {  	p1 =	slt.u32 s9, $0xF7A;
	s5 =	simm.s32 @!p2 $0x0  }
0x1d: {  	s5 =	simm.s32 @p1 $0x1;
	p0 =	seq.s32 s7, s2  }
0x1e: {  	s7 =	smul.u32 @!p0 $0xF7A, s2;
	p2 =	seq.s32 @!p0 s5, $0x0  }
0x1f: {  	s9 =	smul.u32 $0xF7A, s1;
	s8 =	simm.s32 @!p0 $0x1BF5;
	p2 =	por !p2, p0  }
0x20: {  	[sflag:s8] =	ssyncset.s32 @!p0 $0xFFFFF086;
	s6 =	sadd.s32 @!p0 s3, s7;
	s7 =	simm.s32 @!p0 $0x108  }
0x21: {  	s3 =	sadd.s32 s3, s9;
	s6 =	sadd.s32 @!p0 $0x88, s6;
	s7 =	simm.s32 @p2 $0x1082  }
0x22: {  	[simem:s7], [sflag:s8] =	dma.local @!p0 [hbm:s6], $0xF7A  }
0x23: {  	s9 =	sor.u32 $0xD0000000, s2;
	s6 =	simm.s32 $0x108;
	_ =	swait.ge @!p0 [sflag:s8], $0x0  }
0x24: {  	s3 =	sadd.s32 $0x88, s3;
	s6 =	simm.s32 @!p1 $0x1082;
	[sflag:s4] =	ssyncset.s32 $0xFFFFF086  }
0x25: {  	[simem:s6], [sflag:s4] =	dma.local [hbm:s3], $0xF7A  }
0x26: {  	[smem:$0x3F88] =	sst s1;
	(tag) =	ssettag s2;
	_ =	strace s9  }
0x27: {  	s1 =	sld [smem:$0x3F98]  }
0x28: {  	s2 =	sld [smem:$0x3F99]  }
0x29: {  	s4 =	sld [smem:$0x3F9B]  }
0x2a: {  	p0 =	seq.s32 s5, $0x0;
	s5 =	sld [smem:$0x3F9C]  }
0x2b: {  	s6 =	sld [smem:$0x3F9D]  }
0x2c: {  	s7 =	sld [smem:$0x3F9E]  }
0x2d: {  	s3 =	simm.s32 $0x108;
	s8 =	sld [smem:$0x3F9F]  }
0x2e: {  	s3 =	simm.s32 @!p0 $0x1082;
	s9 =	sld [smem:$0x3FA0]  }
0x2f: {  	lr =	sadd.s32 s0, s3;
	s0 =	sld [smem:$0x3F97]  }
0x30: {  	s3 =	sld [smem:$0x3F9A]  }
0x31: {  	[smem:$0x3FA3] =	sst s10  }
0x32: {  	s10 =	sld [smem:$0x3FA1];
	_ =	sdelay $0x3  }
0x33: {  	p0 =	seq.s32 s10, $0x1;
	s10 =	sld [smem:$0x3FA3];
	_ =	sdelay $0x3  }
0x34: {  	[smem:$0x3FA3] =	sst s10  }
0x35: {  	s10 =	sld [smem:$0x3FA2];
	_ =	sdelay $0x3  }
0x36: {  	p1 =	seq.s32 s10, $0x1;
	s10 =	sld [smem:$0x3FA3];
	_ =	sdelay $0x3  }
0x37: {  	[smem:$0x3FA3] =	sst s10  }
0x38: {  	s10 =	sld [smem:$0x3FA4]  }
0x39: {  	_ = 	snop;
	(pc) =	sbr.ind lr, $3  }
0x3a: {  	_ = 	snop  }
0x3b: {  	_ = 	snop  }
0x3c: {  	p2 =	seq.s32 s10, $0x1;
	s10 =	sld [smem:$0x3FA3]  }
0x3d: {  	_ =	shalt  }
0x3e: {  	_ =	shalt  }
0x3f: {  	_ =	shalt  }
0x40: {  	_ =	shalt  }
0x41: {  	_ =	shalt  }
0x42: {  	_ =	shalt  }
0x43: {  	_ =	shalt  }
0x44: {  	_ =	shalt  }
0x45: {  	_ =	shalt  }
0x46: {  	_ =	shalt  }
0x47: {  	_ =	shalt  }
0x48: {  	_ =	shalt  }
0x49: {  	_ =	shalt  }
0x4a: {  	_ =	shalt  }
0x4b: {  	_ =	shalt  }
0x4c: {  	_ =	shalt  }
0x4d: {  	_ =	shalt  }
0x4e: {  	_ =	shalt  }
0x4f: {  	_ =	shalt  }
0x50: {  	_ =	shalt  }
0x51: {  	_ =	shalt  }
0x52: {  	_ =	shalt  }
0x53: {  	_ =	shalt  }
0x54: {  	_ =	shalt  }
0x55: {  	_ =	shalt  }
0x56: {  	_ =	shalt  }
0x57: {  	_ =	shalt  }
0x58: {  	_ =	shalt  }
0x59: {  	_ =	shalt  }
0x5a: {  	_ =	shalt  }
0x5b: {  	_ =	shalt  }
0x5c: {  	_ =	shalt  }
0x5d: {  	_ =	shalt  }
0x5e: {  	_ =	shalt  }
0x5f: {  	_ =	shalt  }
0x60: {  	_ =	shalt  }
0x61: {  	_ =	shalt  }
0x62: {  	_ =	shalt  }
0x63: {  	_ =	shalt  }
0x64: {  	_ =	shalt  }
0x65: {  	_ =	shalt  }
0x66: {  	_ =	shalt  }
0x67: {  	_ =	shalt  }
0x68: {  	_ =	shalt  }
0x69: {  	_ =	shalt  }
0x6a: {  	_ =	shalt  }
0x6b: {  	_ =	shalt  }
0x6c: {  	_ =	shalt  }
0x6d: {  	_ =	shalt  }
0x6e: {  	_ =	shalt  }
0x6f: {  	_ =	shalt  }
0x70: {  	_ =	shalt  }
0x71: {  	_ =	shalt  }
0x72: {  	_ =	shalt  }
0x73: {  	_ =	shalt  }
0x74: {  	_ =	shalt  }
0x75: {  	_ =	shalt  }
0x76: {  	_ =	shalt  }
0x77: {  	_ =	shalt  }
0x78: {  	_ =	shalt  }
0x79: {  	_ =	shalt  }
0x7a: {  	_ =	shalt  }
0x7b: {  	_ =	shalt  }
0x7c: {  	_ =	shalt  }
0x7d: {  	_ =	shalt  }
0x7e: {  	_ =	shalt  }
0x7f: {  	_ =	shalt  }
0x80: {  	_ =	shalt  }
0x81: {  	_ =	shalt  }
0x82: {  	_ =	shalt  }
0x83: {  	_ =	shalt  }
0x84: {  	_ =	shalt  }
0x85: {  	_ =	shalt  }
0x86: {  	_ =	shalt  }
0x87: {  	_ =	shalt  }
.Lfunc_end0:
.L_simem_size_0:
called_computation_lowered:
.L_overlay_start_0:
0x88: {  	s2 =	sld [smem:$0x3FD9]  }
0x89: {  	s3 =	sld [smem:$0x3FFE];
	_ =	sdelay $0x1  }
0x8a: {  	s1 =	srdreg.scid  }
0x8b: {  	s0 =	sand.u32 $0x1, s1  }
0x8c: {  	s16 =	sshll.u32 s0, $0xA;
	s2 =	sadd.s32 s3, s2  }
0x8d: {  	s2 =	sadd.s32 s2, s16  }
0x8e: {  	[smem:$0x3FAF] =	sst s2  }
0x8f: {  	_ = 	snop  }
0x90: {  	(tm) =	ssettm $0x1  }
0x91: {  	s17 =	sld [smem:$0x3FFB];
	_ =	sdelay $0x3  }
0x92: {  	_ =	strace s17  }
0x93: {  	s2 =	sld [smem:$0x3FFC];
	_ =	sdelay $0x3  }
0x94: {  	_ =	strace s2  }
0x95: {  	s2 =	sld [smem:$0x3FFD];
	_ =	sdelay $0x3  }
0x96: {  	_ =	strace s2  }
0x97: {  	_ =	strace $0x8FFFFFFF  }
0x98: {  	s18 =	sld [smem:$0x3FDB];
	_ =	sdelay $0x1  }
0x99: {  	s19 =	simm.s32 $_scs_section_size  }
0x9a: {  	s4 =	simm.s32 $_size__tile_overlayer_lowered;
	s5 =	simm.s32 $_tile_overlayer_lowered  }
0x9b: {  	s22 =	simm.s32 $0x1BFF;
	s21 =	sshll.u32 s5, $0x1;
	s2 =	sadd.s32 s19, s18  }
0x9c: {  	s6 =	simm.s32 $0x0;
	s20 =	sshll.u32 s4, $0x1;
	s4 =	sadd.s32 s21, s2  }
0x9d: {  	[timem:s6], [sflag:s22] =	dma.local [hbm:s4], s20  }
0x9e: {  	_ =	swait.ge [sflag:s22], s20  }
0x9f: {  	s3 =	ssub.s32 $0x0, s20;
	[sflag:s22] =	ssyncset.done $0x0  }
0xa0: {  	[sflag:s22] =	ssyncadd.s32 s3;
	_ =	sdelay $0x1  }
0xa1: {  	s23 =	simm.s32 $0x1B8B  }
0xa2: {  	_ =	swait.ge [sflag:s23], $0x1  }
0xa3: {  	[sflag:s23] =	ssyncset.done $0x0  }
0xa4: {  	s25 =	simm.s32 $0x1B8E;
	s24 =	sld [smem:$0x3FFE];
	[sflag:s23] =	ssyncadd.s32 $0xFFFFFFFF  }
0xa5: {  	s26 =	simm.s32 $execute0_lowered;
	[smem:$0x3FD2] =	sst s25  }
0xa6: {  	s4 =	sshll.u32 s26, $0x1;
	_ =	strace $0x80000046;
	[dreg:$0x1] =	wrdreg $0xFFFFFFFF  }
0xa7: {  	s28 =	simm.s32 $_size_execute0_lowered;
	s2 =	sadd.s32 s2, s4;
	[dreg:$0x0] =	wrdreg $0x0  }
0xa8: {  	s4 =	sshll.u32 s28, $0x1;
	[dreg:$0x2] =	wrdreg s2  }
0xa9: {  	[dreg:$0x3] =	wrdreg s4  }
0xaa: {  	[dreg:$0x4] =	wrdreg $0xC0  }
0xab: {  	_ =	task [dreg:s6], $0x5FFFF  }
0xac: {  	[dreg:$0x1] =	wrdreg $0xFFFFFFFF  }
0xad: {  	[dreg:$0x0] =	wrdreg $0x60  }
0xae: {  	[dreg:$0x2] =	wrdreg s24  }
0xaf: {  	[dreg:$0x3] =	wrdreg $0x0  }
0xb0: {  	[dreg:$0x4] =	wrdreg $0x9  }
0xb1: {  	_ =	task.clear_ibuf [dreg:s6], $0x5FFFF;
	_ =	strace $0x90000046  }
0xb2: {  	s29 =	simm.s32 $0x9;
	_ =	strace $0x80000048  }
0xb3: {  	_ =	swait.ge [sflag:s29], $0x1  }
0xb4: {  	[sflag:s29] =	ssyncadd.s32 $0xFFFFFFFF  }
0xb5: {  	_ =	strace $0x90000048  }
0xb6: {  	_ =	sfence  }
0xb7: {  	s30 =	sld [smem:$0x0];
	_ =	sdelay $0x2  }
0xb8: {  	s31 =	sshll.u32 s1, $0xD;
	s1 =	sshrl.u32 s1, $0x2  }
0xb9: {  	s3 =	sand.u32 $0x4000, s31;
	s1 =	sadd.s32 s1, s30  }
0xba: {  	s0 =	sor.u32 s3, s0;
	s1 =	sshll.u32 s1, $0x11  }
0xbb: {  	s0 =	sor.u32 s1, s0  }
0xbc: {  	s0 =	sadd.s32 $0x8F2B, s0  }
0xbd: {  	[sflag:s0] =	ssyncadd.remote.s32 $0x1  }
0xbe: {  	_ =	sfence.sel $0xFFFF  }
0xbf: {  	[dreg:$0x0] =	wrdreg $0xFFFFFFFF;
	(pc) =	sbr.abs _section_cstart, $3  }
0xc0: {  	[dreg:$0x1] =	wrdreg $0xFFFFFFFF  }
0xc1: {  	_ =	task.clear_ibuf [dreg:s6], $0x2FFFF;
	_ =	strace $0x9FFFFFFF  }
0xc2: {  	(tm) =	ssettm $0x7FFFFFFF  }
0xc3: {  	_ =	shalt  }
tec
execute0_lowered:
.L_overlay_start_1:
0x0: {  	(tag) =	ssettag $0x1  }
0x1: {  	s25 =	stileid.u32  }
0x2: {  	s4 =	smul.u32 $0x6400, s25  }
0x3: {  	s0 =	srdreg.scid;
	s9 =	smul.u32 $0xA000, s25  }
0x4: {  	s1 =	rddreg [dreg:$0x0];
	s0 =	sand.u32 $0x1, s0;
	s22 =	smul.u32 $0x50, s25  }
0x5: {  	s2 =	rddreg [dreg:$0x1];
	s3 =	smul.u32 $0x2710, s0  }
0x6: {  	s6 =	simm.s32 $0x0;
	s10 =	sor.u32 $0x10, s25;
	s8 =	smul.u32 $0x64000, s0  }
0x7: {  	s5 =	simm.s32 $0x0;
	s11 =	sor.u32 $0x20, s25;
	s7 =	smul.u32 $0x50, s10  }
0x8: {  	s28 =	simm.s32 $0x13C80;
	s13 =	sor.u32 $0x30, s25;
	s12 =	smul.u32 $0x50, s11  }
0x9: {  	s29 =	simm.s32 $0x3;
	s16 =	sor.u32 $0x40, s25;
	s15 =	smul.u32 $0x50, s13  }
0xa: {  	[dreg:$0x3] =	wrdreg s5;
	s17 =	sor.u32 $0x50, s25;
	s23 =	smul.u32 $0x50, s16  }
0xb: {  	[smem:$0x7FF] =	sst s6;
	s19 =	sor.u32 $0x60, s25;
	s24 =	smul.u32 $0x50, s17  }
0xc: {  	s5 =	sadd.s32 $0x29800, s1;
	s21 =	sor.u32 $0x70, s25;
	s26 =	smul.u32 $0x50, s19  }
0xd: {  	s6 =	sadd.s32 $0x4000, s1;
	s0 =	ssub.s32 $0x2, s0;
	s10 =	smul.u32 $0xA000, s10  }
0xe: {  	_ =	strace $0x80000047;
	s19 =	smul.u32 $0xA000, s19;
	s14 =	sshrl.u32 s0, $0x1  }
0xf: {  	p0 =	sgt.u32 s21, $0x7C;
	s9 =	sshrl.u32 s9, $0x2;
	s0 =	ssub.s32 s0, s14  }
0x10: {  	s18 =	sadd.s32 s3, s22;
	s20 =	sadd.s32 s3, s7;
	s12 =	sadd.s32 s3, s12  }
0x11: {  	s15 =	sadd.s32 s3, s15;
	s22 =	smul.u32 $0x50, s21;
	s14 =	sadd.s32 s3, s23  }
0x12: {  	s23 =	sadd.s32 s3, s24;
	s24 =	sadd.s32 s3, s26;
	s7 =	sadd.s32 $0x1D000, s1  }
0x13: {  	s1 =	sadd.s32 $0x77A00, s1;
	s9 =	sadd.s32 s9, s2;
	s26 =	smul.u32 $0xA000, s13  }
0x14: {  	s13 =	smul.u32 $0xA000, s16;
	s0 =	smax.u32 s0, $0x1;
	[dreg:$0x5] =	wrdreg s9  }
0x15: {  	s9 =	sshll.u32 s18, $0x4;
	s18 =	smul.u32 $0xA000, s11;
	s3 =	sadd.s32 s3, s22  }
0x16: {  	[dreg:$0x4] =	wrdreg s0;
	s22 =	sshll.u32 s25, $0x6;
	s0 =	sshrl.u32 s10, $0x2  }
0x17: {  	s16 =	smul.u32 $0xA000, s17;
	s25 =	sor.u32 $0x1C07, s22;
	s0 =	sadd.s32 s0, s2  }
0x18: {  	s10 =	sshrl.u32 s18, $0x2;
	s22 =	sshrl.u32 s19, $0x2;
	[dreg:$0x7] =	wrdreg s0  }
0x19: {  	s0 =	sshll.u32 s20, $0x4;
	s10 =	sadd.s32 s10, s2;
	s20 =	smul.u32 $0xA000, s21  }
0x1a: {  	s21 =	sshll.u32 s14, $0x4;
	s14 =	sadd.s32 s22, s2;
	[dreg:$0x8] =	wrdreg s10  }
0x1b: {  	s17 =	smov.u32 s25;
	s25 =	sadd.s32 s5, s9;
	[dreg:$0xc] =	wrdreg s14  }
0x1c: {  	s30 =	simm.s32 $0x14F80;
	s9 =	sadd.s32 s1, s9;
	[dreg:$0xe] =	wrdreg s25  }
0x1d: {  	s31 =	simm.s32 $0x6;
	s11 =	sshrl.u32 s26, $0x2;
	[dreg:$0xf] =	wrdreg s9  }
0x1e: {  	s8 =	sadd.s32 s8, s4;
	s10 =	sadd.s32 s11, s2;
	[dreg:$0x6] =	wrdreg s17  }
0x1f: {  	s12 =	sshll.u32 s12, $0x4;
	s26 =	sadd.s32 s5, s0;
	[dreg:$0x9] =	wrdreg s10  }
0x20: {  	s24 =	sshll.u32 s24, $0x4;
	s0 =	sadd.s32 s1, s0;
	[dreg:$0x10] =	wrdreg s26  }
0x21: {  	s18 =	sshll.u32 s15, $0x4;
	s9 =	sadd.s32 s5, s12;
	[dreg:$0x11] =	wrdreg s0  }
0x22: {  	s3 =	sshll.u32 s3, $0x4;
	s19 =	sadd.s32 s5, s21;
	[dreg:$0x12] =	wrdreg s9  }
0x23: {  	s11 =	sshrl.u32 s13, $0x2;
	s25 =	sadd.s32 s1, s3;
	[dreg:$0x16] =	wrdreg s19  }
0x24: {  	s13 =	simm.s32 $0x13A80;
	s11 =	sadd.s32 s11, s2;
	[dreg:$0x1c] =	wrdreg s25  }
0x25: {  	s10 =	sshrl.u32 s16, $0x2;
	s16 =	sadd.s32 s5, s18;
	[dreg:$0xa] =	wrdreg s11  }
0x26: {  	s14 =	simm.s32 $0x14E80;
	s18 =	sadd.s32 s1, s18;
	[dreg:$0x14] =	wrdreg s16  }
0x27: {  	s26 =	sadd.s32 s5, s3;
	s19 =	simm.s32 $0x13B80;
	[dreg:$0x15] =	wrdreg s18  }
0x28: {  	s25 =	simm.s32 $0x14F00;
	s10 =	sadd.s32 s10, s2;
	[dreg:$0x1d] =	wrdreg s26  }
0x29: {  	s0 =	simm.s32 $0x14D80;
	s9 =	simm.s32 $0x16200;
	[dreg:$0xb] =	wrdreg s10  }
0x2a: {  	s10 =	sshll.u32 s23, $0x4;
	s23 =	sshrl.u32 s20, $0x2;
	s20 =	sadd.s32 s1, s21  }
0x2b: {  	s16 =	simm.s32 $0x16280;
	s15 =	sadd.s32 s23, s2;
	[dreg:$0x17] =	wrdreg s20  }
0x2c: {  	s18 =	simm.s32 $0x19680;
	s21 =	sadd.s32 s5, s10;
	[dreg:$0xd] =	wrdreg s15  }
0x2d: {  	s26 =	simm.s32 $0x5;
	s22 =	sadd.s32 s1, s10;
	[dreg:$0x18] =	wrdreg s21  }
0x2e: {  	s23 =	sadd.s32 s5, s24;
	s24 =	sadd.s32 s1, s24;
	[dreg:$0x19] =	wrdreg s22  }
0x2f: {  	s20 =	simm.s32 $0x1CA80;
	s15 =	sadd.s32 s1, s12;
	[dreg:$0x1a] =	wrdreg s23  }
0x30: {  	[dreg:$0x1b] =	wrdreg s24;
	s12 =	simm.s32 $0x7;
	s21 =	simm.s32 $0x1  }
0x31: {  	s22 =	simm.s32 $0x4;
	s23 =	simm.s32 $0x13C00;
	s24 =	simm.s32 $0x2  }
0x32: {  	s1 =	simm.s32 $0x16180;
	[dreg:$0x13] =	wrdreg s15;
	s15 =	simm.s32 $0x64  }
.LBB2_1:
0x33: {  	s3 =	rddreg [dreg:$0x5]  }
0x34: {  	s11 =	rddreg [dreg:$0xe];
	s10 =	sshrl.u32 s3, $0x3  }
0x35: {  	[dreg:$0x1e] =	wrdreg s10  }
0x36: {  	[spmem:s10], [sflag:s17] =	dma.local [hbm:s11], $0x500  }
0x37: {  	_ =	swait.ge [sflag:s12], $0x500  }
0x38: {  	s11 =	rddreg [dreg:$0x7]  }
0x39: {  	[sflag:s12] =	ssyncset.done $0x0;
	s3 =	sshrl.u32 s11, $0x3;
	s11 =	rddreg [dreg:$0x10]  }
0x3a: {  	[sflag:s12] =	ssyncadd.s32 $0xFFFFFB00;
	[dreg:$0x1f] =	wrdreg s3  }
0x3b: {  	[spmem:s3], [sflag:s17] =	dma.local [hbm:s11], $0x500  }
0x3c: {  	_ =	swait.ge [sflag:s12], $0x500  }
0x3d: {  	s11 =	rddreg [dreg:$0x8]  }
0x3e: {  	[sflag:s12] =	ssyncset.done $0x0;
	s3 =	sshrl.u32 s11, $0x3;
	s11 =	rddreg [dreg:$0x12]  }
0x3f: {  	[sflag:s12] =	ssyncadd.s32 $0xFFFFFB00;
	[smem:$0x7F8] =	sst s3  }
0x40: {  	[spmem:s3], [sflag:s17] =	dma.local [hbm:s11], $0x500  }
0x41: {  	_ =	swait.ge [sflag:s12], $0x500  }
0x42: {  	s11 =	rddreg [dreg:$0x9]  }
0x43: {  	[sflag:s12] =	ssyncset.done $0x0;
	s3 =	sshrl.u32 s11, $0x3;
	s11 =	rddreg [dreg:$0x14]  }
0x44: {  	[sflag:s12] =	ssyncadd.s32 $0xFFFFFB00;
	[smem:$0x7F9] =	sst s3  }
0x45: {  	[spmem:s3], [sflag:s17] =	dma.local [hbm:s11], $0x500  }
0x46: {  	_ =	swait.ge [sflag:s12], $0x500  }
0x47: {  	s11 =	rddreg [dreg:$0xa]  }
0x48: {  	[sflag:s12] =	ssyncset.done $0x0;
	s3 =	sshrl.u32 s11, $0x3;
	s11 =	rddreg [dreg:$0x16]  }
0x49: {  	[sflag:s12] =	ssyncadd.s32 $0xFFFFFB00;
	[smem:$0x7FA] =	sst s3  }
0x4a: {  	[spmem:s3], [sflag:s17] =	dma.local [hbm:s11], $0x500  }
0x4b: {  	_ =	swait.ge [sflag:s12], $0x500  }
0x4c: {  	s11 =	rddreg [dreg:$0xb]  }
0x4d: {  	[sflag:s12] =	ssyncset.done $0x0;
	s3 =	sshrl.u32 s11, $0x3;
	s11 =	rddreg [dreg:$0x18]  }
0x4e: {  	[sflag:s12] =	ssyncadd.s32 $0xFFFFFB00;
	[smem:$0x7FB] =	sst s3  }
0x4f: {  	[spmem:s3], [sflag:s17] =	dma.local [hbm:s11], $0x500  }
0x50: {  	_ =	swait.ge [sflag:s12], $0x500  }
0x51: {  	s11 =	rddreg [dreg:$0xc]  }
0x52: {  	[sflag:s12] =	ssyncset.done $0x0;
	s3 =	sshrl.u32 s11, $0x3;
	s11 =	rddreg [dreg:$0x1a]  }
0x53: {  	[sflag:s12] =	ssyncadd.s32 $0xFFFFFB00;
	[smem:$0x7FC] =	sst s3  }
0x54: {  	[spmem:s3], [sflag:s17] =	dma.local [hbm:s11], $0x500  }
0x55: {  	_ =	swait.ge [sflag:s12], $0x500  }
0x56: {  	s3 =	rddreg [dreg:$0xd]  }
0x57: {  	[sflag:s12] =	ssyncset.done $0x0;
	s10 =	sshrl.u32 @!p0 s3, $0x3;
	s3 =	rddreg [dreg:$0x1d]  }
0x58: {  	[sflag:s12] =	ssyncadd.s32 $0xFFFFFB00;
	[smem:$0x7FD] =	sst s10  }
0x59: {  	[spmem:s10], [sflag:s17] =	dma.local @!p0 [hbm:s3], $0x500  }
0x5a: {  	s3 =	simm.s32 @!p0 $0x7  }
0x5b: {  	_ =	swait.ge @!p0 [sflag:s3], $0x500  }
0x5c: {  	[sflag:s3] =	ssyncset.done @!p0 $0x0  }
0x5d: {  	[sflag:s3] =	ssyncadd.s32 @!p0 $0xFFFFFB00  }
0x5e: {  	s10 =	simm.s32 $0x0;
	[bflag:$0x0] =	sbarrier.arrive $0xFFFF  }
.LBB2_2:
0x5f: {  	s3 =	smul.u32 $0x1400, s10;
	_ =	sdelay $0x1  }
0x60: {  	s11 =	sadd.s32 s8, s3  }
0x61: {  	s11 =	sshrl.u32 s11, $0x3  }
0x62: {  	s17 =	simm.s32 $0x0;
	s11 =	sadd.s32 s6, s11  }
0x63: {  	[tilespmem:s13], [sflag:$0x7] =	stream.linear.gather [hbm4b:s11+s17], $0x1400, $0x38;
	[tilespmem:$0x1FE80] =	vst v63  }
0x64: {  	s3 =	sadd.s32 s4, s3;
	_ =	swait.ge [sflag:s12], $0x1400  }
0x65: {  	s3 =	sshrl.u32 s3, $0x3;
	[sflag:s12] =	ssyncset.done $0x0  }
0x66: {  	s3 =	sadd.s32 s7, s3;
	[sflag:s12] =	ssyncadd.s32 $0xFFFFEC00  }
0x67: {  	[tilespmem:s14], [sflag:$0x7] =	stream.linear.gather [hbm4b:s3+s17], $0x1400, $0x38;
	[tilespmem:$0x1FE80] =	vst v63  }
0x68: {  	_ =	swait.ge [sflag:s12], $0x1400  }
0x69: {  	[sflag:s12] =	ssyncset.done $0x0  }
0x6a: {  	[sflag:s12] =	ssyncadd.s32 $0xFFFFEC00  }
0x6b: {  	[tilespmem:s16], [sflag:$0x1] =	stream.indirect.gather [hbm4b:s5+s15], $0x80, s13, s15, $0xb8;
	[tilespmem:$0x1FE80] =	vst v63  }
0x6c: {  	s11 =	simm.s32 $0x13B00  }
0x6d: {  	[tilespmem:s18], [sflag:$0x2] =	stream.indirect.gather [hbm4b:s5+s15], $0x80, s11, s15, $0xb8;
	[tilespmem:$0x1FE80] =	vst v63  }
0x6e: {  	_ = 	snop  }
0x6f: {  	[tilespmem:s20], [sflag:$0x3] =	stream.indirect.gather [hbm4b:s5+s15], $0x80, s19, s15, $0xb8;
	[tilespmem:$0x1FE80] =	vst v63  }
0x70: {  	_ =	swait.ge [sflag:s21], $0x3200  }
0x71: {  	[sflag:s21] =	ssyncset.done $0x0  }
0x72: {  	[sflag:s21] =	ssyncadd.s32 $0xFFFFCE00  }
0x73: {  	[spmem:s2] =	stream.indirect.scatter.add.f32 [tilespmem:s16], [sflag:$0x4], $0x80, s14, s15, $0xb8;
	[tilespmem:$0x1FE80] =	vst v63  }
0x74: {  	_ =	swait.ge [sflag:s22], $0x3200  }
0x75: {  	[sflag:s22] =	ssyncset.done $0x0  }
0x76: {  	[sflag:s22] =	ssyncadd.s32 $0xFFFFCE00  }
0x77: {  	[tilespmem:s16], [sflag:$0x1] =	stream.indirect.gather [hbm4b:s5+s15], $0x80, s23, s15, $0xb8;
	[tilespmem:$0x1FE80] =	vst v63  }
0x78: {  	_ =	swait.ge [sflag:s24], $0x3200  }
0x79: {  	[sflag:s24] =	ssyncset.done $0x0  }
0x7a: {  	[sflag:s24] =	ssyncadd.s32 $0xFFFFCE00  }
0x7b: {  	[spmem:s2] =	stream.indirect.scatter.add.f32 [tilespmem:s18], [sflag:$0x5], $0x80, s25, s15, $0xb8;
	[tilespmem:$0x1FE80] =	vst v63  }
0x7c: {  	_ =	swait.ge [sflag:s26], $0x3200  }
0x7d: {  	[sflag:s26] =	ssyncset.done $0x0  }
0x7e: {  	[sflag:s26] =	ssyncadd.s32 $0xFFFFCE00  }
0x7f: {  	[tilespmem:s18], [sflag:$0x2] =	stream.indirect.gather [hbm4b:s5+s15], $0x80, s28, s15, $0xb8;
	[tilespmem:$0x1FE80] =	vst v63  }
0x80: {  	_ =	swait.ge [sflag:s29], $0x3200  }
0x81: {  	[sflag:s29] =	ssyncset.done $0x0  }
0x82: {  	[sflag:s29] =	ssyncadd.s32 $0xFFFFCE00  }
0x83: {  	[spmem:s2] =	stream.indirect.scatter.add.f32 [tilespmem:s20], [sflag:$0x6], $0x80, s30, s15, $0xb8;
	[tilespmem:$0x1FE80] =	vst v63  }
0x84: {  	_ =	swait.ge [sflag:s31], $0x3200  }
0x85: {  	[sflag:s31] =	ssyncset.done $0x0  }
0x86: {  	s17 =	simm.s32 $0x13D00;
	[sflag:s31] =	ssyncadd.s32 $0xFFFFCE00  }
0x87: {  	[tilespmem:s20], [sflag:$0x3] =	stream.indirect.gather [hbm4b:s5+s15], $0x80, s17, s15, $0xb8;
	[tilespmem:$0x1FE80] =	vst v63  }
0x88: {  	_ =	swait.ge [sflag:s21], $0x3200  }
0x89: {  	[sflag:s21] =	ssyncset.done $0x0  }
0x8a: {  	s11 =	simm.s32 $0x15000;
	[sflag:s21] =	ssyncadd.s32 $0xFFFFCE00  }
0x8b: {  	[spmem:s2] =	stream.indirect.scatter.add.f32 [tilespmem:s16], [sflag:$0x4], $0x80, s11, s15, $0xb8;
	[tilespmem:$0x1FE80] =	vst v63  }
0x8c: {  	_ =	swait.ge [sflag:s22], $0x3200  }
0x8d: {  	[sflag:s22] =	ssyncset.done $0x0  }
0x8e: {  	s17 =	simm.s32 $0x13D80;
	[sflag:s22] =	ssyncadd.s32 $0xFFFFCE00  }
0x8f: {  	[tilespmem:s16], [sflag:$0x1] =	stream.indirect.gather [hbm4b:s5+s15], $0x80, s17, s15, $0xb8;
	[tilespmem:$0x1FE80] =	vst v63  }
0x90: {  	_ =	swait.ge [sflag:s24], $0x3200  }
0x91: {  	[sflag:s24] =	ssyncset.done $0x0  }
0x92: {  	s11 =	simm.s32 $0x15080;
	[sflag:s24] =	ssyncadd.s32 $0xFFFFCE00  }
0x93: {  	[spmem:s2] =	stream.indirect.scatter.add.f32 [tilespmem:s18], [sflag:$0x5], $0x80, s11, s15, $0xb8;
	[tilespmem:$0x1FE80] =	vst v63  }
0x94: {  	_ =	swait.ge [sflag:s26], $0x3200  }
0x95: {  	[sflag:s26] =	ssyncset.done $0x0  }
0x96: {  	s17 =	simm.s32 $0x13E00;
	[sflag:s26] =	ssyncadd.s32 $0xFFFFCE00  }
0x97: {  	[tilespmem:s18], [sflag:$0x2] =	stream.indirect.gather [hbm4b:s5+s15], $0x80, s17, s15, $0xb8;
	[tilespmem:$0x1FE80] =	vst v63  }
0x98: {  	_ =	swait.ge [sflag:s29], $0x3200  }
0x99: {  	[sflag:s29] =	ssyncset.done $0x0  }
0x9a: {  	s3 =	simm.s32 $0x600;
	s11 =	simm.s32 $0x15100;
	[sflag:s29] =	ssyncadd.s32 $0xFFFFCE00  }
.LBB2_3:
0x9b: {  	[spmem:s2] =	stream.indirect.scatter.add.f32 [tilespmem:s20], [sflag:$0x6], $0x80, s11, s15, $0xb8;
	[tilespmem:$0x1FE80] =	vst v63  }
0x9c: {  	s11 =	smov.u32 s3;
	s3 =	sadd.s32 $0x600, s3;
	_ =	swait.ge [sflag:s31], $0x3200  }
0x9d: {  	s11 =	sshra.s32 s11, $0x2;
	p1 =	sne.s32 s3, $0x4200;
	[sflag:s31] =	ssyncset.done $0x0  }
0x9e: {  	s17 =	sadd.s32 $0x13D00, s11;
	[sflag:s31] =	ssyncadd.s32 $0xFFFFCE00  }
0x9f: {  	[tilespmem:s20], [sflag:$0x3] =	stream.indirect.gather [hbm4b:s5+s15], $0x80, s17, s15, $0xb8;
	[tilespmem:$0x1FE80] =	vst v63  }
0xa0: {  	_ =	swait.ge [sflag:s21], $0x3200  }
0xa1: {  	[sflag:s21] =	ssyncset.done $0x0  }
0xa2: {  	s17 =	sadd.s32 $0x15000, s11;
	[sflag:s21] =	ssyncadd.s32 $0xFFFFCE00  }
0xa3: {  	[spmem:s2] =	stream.indirect.scatter.add.f32 [tilespmem:s16], [sflag:$0x4], $0x80, s17, s15, $0xb8;
	[tilespmem:$0x1FE80] =	vst v63  }
0xa4: {  	_ =	swait.ge [sflag:s22], $0x3200  }
0xa5: {  	[sflag:s22] =	ssyncset.done $0x0  }
0xa6: {  	s17 =	sadd.s32 $0x13D80, s11;
	[sflag:s22] =	ssyncadd.s32 $0xFFFFCE00  }
0xa7: {  	[tilespmem:s16], [sflag:$0x1] =	stream.indirect.gather [hbm4b:s5+s15], $0x80, s17, s15, $0xb8;
	[tilespmem:$0x1FE80] =	vst v63  }
0xa8: {  	_ =	swait.ge [sflag:s24], $0x3200  }
0xa9: {  	[sflag:s24] =	ssyncset.done $0x0  }
0xaa: {  	s17 =	sadd.s32 $0x15080, s11;
	[sflag:s24] =	ssyncadd.s32 $0xFFFFCE00  }
0xab: {  	[spmem:s2] =	stream.indirect.scatter.add.f32 [tilespmem:s18], [sflag:$0x5], $0x80, s17, s15, $0xb8;
	[tilespmem:$0x1FE80] =	vst v63  }
0xac: {  	_ =	swait.ge [sflag:s26], $0x3200  }
0xad: {  	[sflag:s26] =	ssyncset.done $0x0  }
.Ltmp0:
0xae: {  	s17 =	sadd.s32 $0x13E00, s11;
	[sflag:s26] =	ssyncadd.s32 $0xFFFFCE00;
	(pc) =	sbr.rel @p1 .LBB2_3-.Ltmp0, $4  }
0xaf: {  	[tilespmem:s18], [sflag:$0x2] =	stream.indirect.gather [hbm4b:s5+s15], $0x80, s17, s15, $0xb8;
	[tilespmem:$0x1FE80] =	vst v63  }
0xb0: {  	_ =	swait.ge [sflag:s29], $0x3200  }
0xb1: {  	[sflag:s29] =	ssyncset.done $0x0  }
0xb2: {  	s11 =	sadd.s32 $0x15100, s11;
	[sflag:s29] =	ssyncadd.s32 $0xFFFFCE00  }
0xb3: {  	[spmem:s2] =	stream.indirect.scatter.add.f32 [tilespmem:s20], [sflag:$0x6], $0x80, s11, s15, $0xb8;
	[tilespmem:$0x1FE80] =	vst v63  }
0xb4: {  	_ =	swait.ge [sflag:s31], $0x3200  }
0xb5: {  	[sflag:s31] =	ssyncset.done $0x0  }
0xb6: {  	[sflag:s31] =	ssyncadd.s32 $0xFFFFCE00  }
0xb7: {  	[tilespmem:s20], [sflag:$0x3] =	stream.indirect.gather [hbm4b:s5+s15], $0x80, s0, s15, $0xb8;
	[tilespmem:$0x1FE80] =	vst v63  }
0xb8: {  	_ =	swait.ge [sflag:s21], $0x3200  }
0xb9: {  	s3 =	sshra.s32 s3, $0x2;
	[sflag:s21] =	ssyncset.done $0x0  }
0xba: {  	s17 =	sadd.s32 $0x15000, s3;
	[sflag:s21] =	ssyncadd.s32 $0xFFFFCE00  }
0xbb: {  	[spmem:s2] =	stream.indirect.scatter.add.f32 [tilespmem:s16], [sflag:$0x4], $0x80, s17, s15, $0xb8;
	[tilespmem:$0x1FE80] =	vst v63  }
0xbc: {  	_ =	swait.ge [sflag:s22], $0x3200  }
0xbd: {  	[sflag:s22] =	ssyncset.done $0x0  }
0xbe: {  	s17 =	sadd.s32 $0x13D80, s3;
	[sflag:s22] =	ssyncadd.s32 $0xFFFFCE00  }
0xbf: {  	[tilespmem:s16], [sflag:$0x1] =	stream.indirect.gather [hbm4b:s5+s15], $0x80, s17, s15, $0xb8;
	[tilespmem:$0x1FE80] =	vst v63  }
0xc0: {  	_ =	swait.ge [sflag:s24], $0x3200  }
0xc1: {  	[sflag:s24] =	ssyncset.done $0x0  }
0xc2: {  	s3 =	sadd.s32 $0x15080, s3;
	[sflag:s24] =	ssyncadd.s32 $0xFFFFCE00  }
0xc3: {  	[spmem:s2] =	stream.indirect.scatter.add.f32 [tilespmem:s18], [sflag:$0x5], $0x80, s3, s15, $0xb8;
	[tilespmem:$0x1FE80] =	vst v63  }
0xc4: {  	_ =	swait.ge [sflag:s29], $0x3200  }
0xc5: {  	[sflag:s29] =	ssyncset.done $0x0  }
0xc6: {  	[sflag:s29] =	ssyncadd.s32 $0xFFFFCE00  }
0xc7: {  	[spmem:s2] =	stream.indirect.scatter.add.f32 [tilespmem:s20], [sflag:$0x6], $0x80, s1, s15, $0xb8;
	[tilespmem:$0x1FE80] =	vst v63  }
0xc8: {  	_ =	swait.ge [sflag:s21], $0x3200  }
0xc9: {  	[sflag:s21] =	ssyncset.done $0x0  }
0xca: {  	[sflag:s21] =	ssyncadd.s32 $0xFFFFCE00  }
0xcb: {  	[spmem:s2] =	stream.indirect.scatter.add.f32 [tilespmem:s16], [sflag:$0x4], $0x80, s9, s15, $0xb8;
	[tilespmem:$0x1FE80] =	vst v63  }
0xcc: {  	_ =	swait.ge [sflag:s22], $0x3200  }
0xcd: {  	[sflag:s22] =	ssyncset.done $0x0  }
0xce: {  	s10 =	sadd.s32 $0x1, s10;
	[sflag:s22] =	ssyncadd.s32 $0xFFFFCE00  }
0xcf: {  	p1 =	sne.s32 s10, $0x5;
	_ =	swait.ge [sflag:s26], $0x3200  }
.Ltmp1:
0xd0: {  	[sflag:s26] =	ssyncset.done $0x0;
	(pc) =	sbr.rel @p1 .LBB2_2-.Ltmp1, $4  }
0xd1: {  	[sflag:s26] =	ssyncadd.s32 $0xFFFFCE00  }
0xd2: {  	_ =	swait.ge [sflag:s31], $0x3200  }
0xd3: {  	[sflag:s31] =	ssyncset.done $0x0  }
0xd4: {  	[sflag:s31] =	ssyncadd.s32 $0xFFFFCE00  }
0xd5: {  	[bflag:$0x0] =	sbarrier.arrive $0xFFFF  }
0xd6: {  	s17 =	rddreg [dreg:$0x6]  }
0xd7: {  	s3 =	rddreg [dreg:$0xf]  }
0xd8: {  	s10 =	rddreg [dreg:$0x1e]  }
0xd9: {  	[hbm:s3], [sflag:s17] =	dma.local [spmem:s10], $0x500  }
0xda: {  	_ =	swait.ge [sflag:s12], $0x500  }
0xdb: {  	[sflag:s12] =	ssyncset.done $0x0;
	s10 =	rddreg [dreg:$0x11]  }
0xdc: {  	s11 =	rddreg [dreg:$0x1f];
	[sflag:s12] =	ssyncadd.s32 $0xFFFFFB00  }
0xdd: {  	[hbm:s10], [sflag:s17] =	dma.local [spmem:s11], $0x500  }
0xde: {  	_ =	swait.ge [sflag:s12], $0x500  }
0xdf: {  	s11 =	sld [smem:$0x7F8]  }
0xe0: {  	[sflag:s12] =	ssyncset.done $0x0  }
0xe1: {  	s10 =	rddreg [dreg:$0x13];
	[sflag:s12] =	ssyncadd.s32 $0xFFFFFB00  }
0xe2: {  	[hbm:s10], [sflag:s17] =	dma.local [spmem:s11], $0x500  }
0xe3: {  	_ =	swait.ge [sflag:s12], $0x500  }
0xe4: {  	s11 =	sld [smem:$0x7F9]  }
0xe5: {  	[sflag:s12] =	ssyncset.done $0x0  }
0xe6: {  	s10 =	rddreg [dreg:$0x15];
	[sflag:s12] =	ssyncadd.s32 $0xFFFFFB00  }
0xe7: {  	[hbm:s10], [sflag:s17] =	dma.local [spmem:s11], $0x500  }
0xe8: {  	_ =	swait.ge [sflag:s12], $0x500  }
0xe9: {  	s11 =	sld [smem:$0x7FA]  }
0xea: {  	[sflag:s12] =	ssyncset.done $0x0  }
0xeb: {  	s10 =	rddreg [dreg:$0x17];
	[sflag:s12] =	ssyncadd.s32 $0xFFFFFB00  }
0xec: {  	[hbm:s10], [sflag:s17] =	dma.local [spmem:s11], $0x500  }
0xed: {  	_ =	swait.ge [sflag:s12], $0x500  }
0xee: {  	s11 =	sld [smem:$0x7FB]  }
0xef: {  	[sflag:s12] =	ssyncset.done $0x0  }
0xf0: {  	s10 =	rddreg [dreg:$0x19];
	[sflag:s12] =	ssyncadd.s32 $0xFFFFFB00  }
0xf1: {  	[hbm:s10], [sflag:s17] =	dma.local [spmem:s11], $0x500  }
0xf2: {  	_ =	swait.ge [sflag:s12], $0x500  }
0xf3: {  	s11 =	sld [smem:$0x7FC]  }
0xf4: {  	[sflag:s12] =	ssyncset.done $0x0  }
0xf5: {  	s10 =	rddreg [dreg:$0x1b];
	[sflag:s12] =	ssyncadd.s32 $0xFFFFFB00  }
0xf6: {  	[hbm:s10], [sflag:s17] =	dma.local [spmem:s11], $0x500  }
0xf7: {  	_ =	swait.ge [sflag:s12], $0x500  }
0xf8: {  	s10 =	sld [smem:$0x7FD]  }
0xf9: {  	[sflag:s12] =	ssyncset.done $0x0  }
0xfa: {  	s3 =	rddreg [dreg:$0x1c];
	[sflag:s12] =	ssyncadd.s32 $0xFFFFFB00  }
0xfb: {  	[hbm:s3], [sflag:s17] =	dma.local @!p0 [spmem:s10], $0x500  }
0xfc: {  	s3 =	simm.s32 @!p0 $0x7  }
0xfd: {  	_ =	swait.ge @!p0 [sflag:s3], $0x500  }
0xfe: {  	s11 =	rddreg [dreg:$0x3]  }
0xff: {  	s10 =	sadd.s32 $0x1, s11;
	s11 =	rddreg [dreg:$0x4]  }
0x100: {  	p1 =	sne.s32 s10, s11  }
.Ltmp2:
0x101: {  	_ = 	snop;
	(pc) =	sbr.rel @p1 .LBB2_1-.Ltmp2, $3  }
0x102: {  	_ =	sdelay $0x1  }
0x103: {  	[sflag:s3] =	ssyncset.done @!p0 $0x0  }
0x104: {  	[sflag:s3] =	ssyncadd.s32 @!p0 $0xFFFFFB00;
	[dreg:$0x3] =	wrdreg s10  }
0x105: {  	_ =	sfence.sel $0x180000  }
0x106: {  	[bflag:$0x0] =	sbarrier.arrive $0xFFFF  }
0x107: {  	_ =	strace $0x90000047  }
0x108: {  	s0 =	stileid.u32;
	[bflag:$0x2] =	sbarrier.arrive $0xFFFF  }
0x109: {  	p0 =	sne.s32 s0, $0x0;
	s0 =	rddreg [dreg:$0x2]  }
0x10a: {  	s0 =	sadd.s32 @!p0 $0x100000, s0  }
0x10b: {  	[sflag:s0] =	ssyncadd.tile.s32 @!p0 $0x1;
	_ =	shalt  }
.Lfunc_end2:
_tile_overlayer_lowered:
.L_overlay_start_2:
0x10c: {  	(tag) =	ssettag $0x2  }
0x10d: {  	s0 =	rddreg [dreg:$0x0];
	s2 =	stileid.u32  }
0x10e: {  	s1 =	rddreg [dreg:$0x1];
	p0 =	sne.s32 s2, $0x0  }
0x10f: {  	s3 =	rddreg [dreg:$0x2];
	[bflag:$0x3] =	sbarrier.arrive $0xFFFF;
	s2 =	simm.s32 @!p0 $0x1C07  }
0x110: {  	[timem:s3], [sflag:s2] =	dma.local @!p0 [hbm:s0], s1  }
0x111: {  	s0 =	simm.s32 @!p0 $0x7  }
0x112: {  	_ =	swait.ge @!p0 [sflag:s0], s1  }
0x113: {  	s1 =	ssub.s32 @!p0 $0x0, s1;
	[sflag:s0] =	ssyncset.done @!p0 $0x0  }
0x114: {  	[sflag:s0] =	ssyncadd.s32 @!p0 s1  }
0x115: {  	[bflag:$0x3] =	sbarrier.arrive $0xFFFF  }
0x116: {  	_ =	shalt  }

// kernel: kernel.9.cloned.1.call-start
scs
__scs_entry_jumppad:
0x0: {  	(pc) =	sbr.rel $0x88, $3  }
0x1: {  	(tag) =	ssettag $0x0;
	lr =	simm.s32 $0x1  }
0x2: {  	[smem:$0x3F88] =	sst lr;
	_ =	strace $0xD0000000  }
0x3: {  	_ = 	snop  }
0x4: {  	_ = 	snop  }
0x5: {  	_ = 	snop  }
0x6: {  	_ = 	snop  }
0x7: {  	_ = 	snop  }
__scs_overlays_trampoline_lowered:
0x8: {  	[smem:$0x3F97] =	sst s0  }
0x9: {  	[smem:$0x3F98] =	sst s1  }
0xa: {  	[smem:$0x3F99] =	sst s2  }
0xb: {  	[smem:$0x3F9A] =	sst s3  }
0xc: {  	[smem:$0x3F9B] =	sst s4  }
0xd: {  	[smem:$0x3F9C] =	sst s5  }
0xe: {  	[smem:$0x3F9D] =	sst s6  }
0xf: {  	[smem:$0x3F9E] =	sst s7  }
0x10: {  	[smem:$0x3F9F] =	sst s8  }
0x11: {  	[smem:$0x3FA0] =	sst s9;
	s0 =	simm.s32 @!p0 $0x0  }
0x12: {  	s1 =	sld [smem:$0x3F86];
	s0 =	simm.s32 @p0 $0x1  }
0x13: {  	[smem:$0x3FA1] =	sst s0;
	s0 =	simm.s32 @!p1 $0x0  }
0x14: {  	s2 =	sld [smem:$0x3F85];
	s0 =	simm.s32 @p1 $0x1  }
0x15: {  	[smem:$0x3FA2] =	sst s0;
	s0 =	simm.s32 @!p2 $0x0  }
0x16: {  	s3 =	sld [smem:$0x3FDB];
	s0 =	simm.s32 @p2 $0x1  }
0x17: {  	s4 =	simm.s32 $0x1BF5;
	[smem:$0x3FA4] =	sst s0  }
0x18: {  	s0 =	sld [smem:$0x3F87];
	_ =	swait.ge [sflag:s4], $0x0  }
0x19: {  	s7 =	sld [smem:$0x3F88]  }
0x1a: {  	s8 =	sadd.s32 $0xFFFFE003, lr  }
0x1b: {  	s9 =	sadd.s32 $0xFFFFFEF7, lr;
	s5 =	simm.s32 $0xFFFFFFFF;
	p2 =	slt.u32 s8, $0xFFFFF086  }
0x1c: {  	p1 =	slt.u32 s9, $0xF7A;
	s5 =	simm.s32 @!p2 $0x0  }
0x1d: {  	s5 =	simm.s32 @p1 $0x1;
	p0 =	seq.s32 s7, s2  }
0x1e: {  	s7 =	smul.u32 @!p0 $0xF7A, s2;
	p2 =	seq.s32 @!p0 s5, $0x0  }
0x1f: {  	s9 =	smul.u32 $0xF7A, s1;
	s8 =	simm.s32 @!p0 $0x1BF5;
	p2 =	por !p2, p0  }
0x20: {  	[sflag:s8] =	ssyncset.s32 @!p0 $0xFFFFF086;
	s6 =	sadd.s32 @!p0 s3, s7;
	s7 =	simm.s32 @!p0 $0x108  }
0x21: {  	s3 =	sadd.s32 s3, s9;
	s6 =	sadd.s32 @!p0 $0x88, s6;
	s7 =	simm.s32 @p2 $0x1082  }
0x22: {  	[simem:s7], [sflag:s8] =	dma.local @!p0 [hbm:s6], $0xF7A  }
0x23: {  	s9 =	sor.u32 $0xD0000000, s2;
	s6 =	simm.s32 $0x108;
	_ =	swait.ge @!p0 [sflag:s8], $0x0  }
0x24: {  	s3 =	sadd.s32 $0x88, s3;
	s6 =	simm.s32 @!p1 $0x1082;
	[sflag:s4] =	ssyncset.s32 $0xFFFFF086  }
0x25: {  	[simem:s6], [sflag:s4] =	dma.local [hbm:s3], $0xF7A  }
0x26: {  	[smem:$0x3F88] =	sst s1;
	(tag) =	ssettag s2;
	_ =	strace s9  }
0x27: {  	s1 =	sld [smem:$0x3F98]  }
0x28: {  	s2 =	sld [smem:$0x3F99]  }
0x29: {  	s4 =	sld [smem:$0x3F9B]  }
0x2a: {  	p0 =	seq.s32 s5, $0x0;
	s5 =	sld [smem:$0x3F9C]  }
0x2b: {  	s6 =	sld [smem:$0x3F9D]  }
0x2c: {  	s7 =	sld [smem:$0x3F9E]  }
0x2d: {  	s3 =	simm.s32 $0x108;
	s8 =	sld [smem:$0x3F9F]  }
0x2e: {  	s3 =	simm.s32 @!p0 $0x1082;
	s9 =	sld [smem:$0x3FA0]  }
0x2f: {  	lr =	sadd.s32 s0, s3;
	s0 =	sld [smem:$0x3F97]  }
0x30: {  	s3 =	sld [smem:$0x3F9A]  }
0x31: {  	[smem:$0x3FA3] =	sst s10  }
0x32: {  	s10 =	sld [smem:$0x3FA1];
	_ =	sdelay $0x3  }
0x33: {  	p0 =	seq.s32 s10, $0x1;
	s10 =	sld [smem:$0x3FA3];
	_ =	sdelay $0x3  }
0x34: {  	[smem:$0x3FA3] =	sst s10  }
0x35: {  	s10 =	sld [smem:$0x3FA2];
	_ =	sdelay $0x3  }
0x36: {  	p1 =	seq.s32 s10, $0x1;
	s10 =	sld [smem:$0x3FA3];
	_ =	sdelay $0x3  }
0x37: {  	[smem:$0x3FA3] =	sst s10  }
0x38: {  	s10 =	sld [smem:$0x3FA4]  }
0x39: {  	_ = 	snop;
	(pc) =	sbr.ind lr, $3  }
0x3a: {  	_ = 	snop  }
0x3b: {  	_ = 	snop  }
0x3c: {  	p2 =	seq.s32 s10, $0x1;
	s10 =	sld [smem:$0x3FA3]  }
0x3d: {  	_ =	shalt  }
0x3e: {  	_ =	shalt  }
0x3f: {  	_ =	shalt  }
0x40: {  	_ =	shalt  }
0x41: {  	_ =	shalt  }
0x42: {  	_ =	shalt  }
0x43: {  	_ =	shalt  }
0x44: {  	_ =	shalt  }
0x45: {  	_ =	shalt  }
0x46: {  	_ =	shalt  }
0x47: {  	_ =	shalt  }
0x48: {  	_ =	shalt  }
0x49: {  	_ =	shalt  }
0x4a: {  	_ =	shalt  }
0x4b: {  	_ =	shalt  }
0x4c: {  	_ =	shalt  }
0x4d: {  	_ =	shalt  }
0x4e: {  	_ =	shalt  }
0x4f: {  	_ =	shalt  }
0x50: {  	_ =	shalt  }
0x51: {  	_ =	shalt  }
0x52: {  	_ =	shalt  }
0x53: {  	_ =	shalt  }
0x54: {  	_ =	shalt  }
0x55: {  	_ =	shalt  }
0x56: {  	_ =	shalt  }
0x57: {  	_ =	shalt  }
0x58: {  	_ =	shalt  }
0x59: {  	_ =	shalt  }
0x5a: {  	_ =	shalt  }
0x5b: {  	_ =	shalt  }
0x5c: {  	_ =	shalt  }
0x5d: {  	_ =	shalt  }
0x5e: {  	_ =	shalt  }
0x5f: {  	_ =	shalt  }
0x60: {  	_ =	shalt  }
0x61: {  	_ =	shalt  }
0x62: {  	_ =	shalt  }
0x63: {  	_ =	shalt  }
0x64: {  	_ =	shalt  }
0x65: {  	_ =	shalt  }
0x66: {  	_ =	shalt  }
0x67: {  	_ =	shalt  }
0x68: {  	_ =	shalt  }
0x69: {  	_ =	shalt  }
0x6a: {  	_ =	shalt  }
0x6b: {  	_ =	shalt  }
0x6c: {  	_ =	shalt  }
0x6d: {  	_ =	shalt  }
0x6e: {  	_ =	shalt  }
0x6f: {  	_ =	shalt  }
0x70: {  	_ =	shalt  }
0x71: {  	_ =	shalt  }
0x72: {  	_ =	shalt  }
0x73: {  	_ =	shalt  }
0x74: {  	_ =	shalt  }
0x75: {  	_ =	shalt  }
0x76: {  	_ =	shalt  }
0x77: {  	_ =	shalt  }
0x78: {  	_ =	shalt  }
0x79: {  	_ =	shalt  }
0x7a: {  	_ =	shalt  }
0x7b: {  	_ =	shalt  }
0x7c: {  	_ =	shalt  }
0x7d: {  	_ =	shalt  }
0x7e: {  	_ =	shalt  }
0x7f: {  	_ =	shalt  }
0x80: {  	_ =	shalt  }
0x81: {  	_ =	shalt  }
0x82: {  	_ =	shalt  }
0x83: {  	_ =	shalt  }
0x84: {  	_ =	shalt  }
0x85: {  	_ =	shalt  }
0x86: {  	_ =	shalt  }
0x87: {  	_ =	shalt  }
.Lfunc_end0:
.L_simem_size_0:
called_computation.1_lowered:
.L_overlay_start_0:
0x88: {  	s2 =	sld [smem:$0x3FD9]  }
0x89: {  	s3 =	sld [smem:$0x3FFE];
	_ =	sdelay $0x1  }
0x8a: {  	s1 =	srdreg.scid  }
0x8b: {  	s0 =	sand.u32 $0x1, s1  }
0x8c: {  	s16 =	sshll.u32 s0, $0xA;
	s2 =	sadd.s32 s3, s2  }
0x8d: {  	s2 =	sadd.s32 s2, s16  }
0x8e: {  	[smem:$0x3FAF] =	sst s2  }
0x8f: {  	_ = 	snop  }
0x90: {  	(tm) =	ssettm $0x1  }
0x91: {  	s17 =	sld [smem:$0x3FFB];
	_ =	sdelay $0x3  }
0x92: {  	_ =	strace s17  }
0x93: {  	s2 =	sld [smem:$0x3FFC];
	_ =	sdelay $0x3  }
0x94: {  	_ =	strace s2  }
0x95: {  	s2 =	sld [smem:$0x3FFD];
	_ =	sdelay $0x3  }
0x96: {  	_ =	strace s2  }
0x97: {  	_ =	strace $0x8FFFFFFF  }
0x98: {  	s18 =	sld [smem:$0x3FDB];
	_ =	sdelay $0x1  }
0x99: {  	s19 =	simm.s32 $_scs_section_size  }
0x9a: {  	s4 =	simm.s32 $_size__tile_overlayer_lowered;
	s5 =	simm.s32 $_tile_overlayer_lowered  }
0x9b: {  	s22 =	simm.s32 $0x1BFF;
	s21 =	sshll.u32 s5, $0x1;
	s2 =	sadd.s32 s19, s18  }
0x9c: {  	s6 =	simm.s32 $0x0;
	s20 =	sshll.u32 s4, $0x1;
	s4 =	sadd.s32 s21, s2  }
0x9d: {  	[timem:s6], [sflag:s22] =	dma.local [hbm:s4], s20  }
0x9e: {  	_ =	swait.ge [sflag:s22], s20  }
0x9f: {  	s3 =	ssub.s32 $0x0, s20;
	[sflag:s22] =	ssyncset.done $0x0  }
0xa0: {  	[sflag:s22] =	ssyncadd.s32 s3;
	_ =	sdelay $0x1  }
0xa1: {  	s23 =	simm.s32 $0x1B8B  }
0xa2: {  	_ =	swait.ge [sflag:s23], $0x1  }
0xa3: {  	[sflag:s23] =	ssyncset.done $0x0  }
0xa4: {  	s25 =	simm.s32 $0x1B8E;
	s24 =	sld [smem:$0x3FFE];
	[sflag:s23] =	ssyncadd.s32 $0xFFFFFFFF  }
0xa5: {  	s26 =	simm.s32 $execute0_lowered;
	[smem:$0x3FD2] =	sst s25  }
0xa6: {  	s4 =	sshll.u32 s26, $0x1;
	_ =	strace $0x80000049;
	[dreg:$0x1] =	wrdreg $0xFFFFFFFF  }
0xa7: {  	s28 =	simm.s32 $_size_execute0_lowered;
	s2 =	sadd.s32 s2, s4;
	[dreg:$0x0] =	wrdreg $0x0  }
0xa8: {  	s4 =	sshll.u32 s28, $0x1;
	[dreg:$0x2] =	wrdreg s2  }
0xa9: {  	[dreg:$0x3] =	wrdreg s4  }
0xaa: {  	[dreg:$0x4] =	wrdreg $0xC0  }
0xab: {  	_ =	task [dreg:s6], $0x5FFFF  }
0xac: {  	[dreg:$0x1] =	wrdreg $0xFFFFFFFF  }
0xad: {  	[dreg:$0x0] =	wrdreg $0x60  }
0xae: {  	[dreg:$0x2] =	wrdreg s24  }
0xaf: {  	[dreg:$0x3] =	wrdreg $0x0  }
0xb0: {  	[dreg:$0x4] =	wrdreg $0x9  }
0xb1: {  	_ =	task.clear_ibuf [dreg:s6], $0x5FFFF;
	_ =	strace $0x90000049  }
0xb2: {  	s29 =	simm.s32 $0x9;
	_ =	strace $0x8000004B  }
0xb3: {  	_ =	swait.ge [sflag:s29], $0x1  }
0xb4: {  	[sflag:s29] =	ssyncadd.s32 $0xFFFFFFFF  }
0xb5: {  	_ =	strace $0x9000004B  }
0xb6: {  	_ =	sfence  }
0xb7: {  	s30 =	sld [smem:$0x0];
	_ =	sdelay $0x2  }
0xb8: {  	s31 =	sshll.u32 s1, $0xD;
	s1 =	sshrl.u32 s1, $0x2  }
0xb9: {  	s3 =	sand.u32 $0x4000, s31;
	s1 =	sadd.s32 s1, s30  }
0xba: {  	s0 =	sor.u32 s3, s0;
	s1 =	sshll.u32 s1, $0x11  }
0xbb: {  	s0 =	sor.u32 s1, s0  }
0xbc: {  	s0 =	sadd.s32 $0x8F2B, s0  }
0xbd: {  	[sflag:s0] =	ssyncadd.remote.s32 $0x1  }
0xbe: {  	_ =	sfence.sel $0xFFFF  }
0xbf: {  	[dreg:$0x0] =	wrdreg $0xFFFFFFFF;
	(pc) =	sbr.abs _section_cstart, $3  }
0xc0: {  	[dreg:$0x1] =	wrdreg $0xFFFFFFFF  }
0xc1: {  	_ =	task.clear_ibuf [dreg:s6], $0x2FFFF;
	_ =	strace $0x9FFFFFFF  }
0xc2: {  	(tm) =	ssettm $0x7FFFFFFF  }
0xc3: {  	_ =	shalt  }
tec
execute0_lowered:
.L_overlay_start_1:
0x0: {  	(tag) =	ssettag $0x1  }
0x1: {  	s25 =	stileid.u32  }
0x2: {  	s4 =	smul.u32 $0x6400, s25  }
0x3: {  	s0 =	srdreg.scid;
	s9 =	smul.u32 $0xA000, s25  }
0x4: {  	s1 =	rddreg [dreg:$0x0];
	s0 =	sand.u32 $0x1, s0;
	s22 =	smul.u32 $0x50, s25  }
0x5: {  	s2 =	rddreg [dreg:$0x1];
	s3 =	smul.u32 $0x2710, s0  }
0x6: {  	s6 =	simm.s32 $0x0;
	s10 =	sor.u32 $0x10, s25;
	s8 =	smul.u32 $0x64000, s0  }
0x7: {  	s5 =	simm.s32 $0x0;
	s11 =	sor.u32 $0x20, s25;
	s7 =	smul.u32 $0x50, s10  }
0x8: {  	s28 =	simm.s32 $0x13C80;
	s13 =	sor.u32 $0x30, s25;
	s12 =	smul.u32 $0x50, s11  }
0x9: {  	s29 =	simm.s32 $0x3;
	s16 =	sor.u32 $0x40, s25;
	s15 =	smul.u32 $0x50, s13  }
0xa: {  	[dreg:$0x3] =	wrdreg s5;
	s17 =	sor.u32 $0x50, s25;
	s23 =	smul.u32 $0x50, s16  }
0xb: {  	[smem:$0x7FF] =	sst s6;
	s19 =	sor.u32 $0x60, s25;
	s24 =	smul.u32 $0x50, s17  }
0xc: {  	s5 =	sadd.s32 $0x29800, s1;
	s21 =	sor.u32 $0x70, s25;
	s26 =	smul.u32 $0x50, s19  }
0xd: {  	s6 =	sadd.s32 $0x4000, s1;
	s0 =	ssub.s32 $0x2, s0;
	s10 =	smul.u32 $0xA000, s10  }
0xe: {  	_ =	strace $0x8000004A;
	s19 =	smul.u32 $0xA000, s19;
	s14 =	sshrl.u32 s0, $0x1  }
0xf: {  	p0 =	sgt.u32 s21, $0x7C;
	s9 =	sshrl.u32 s9, $0x2;
	s0 =	ssub.s32 s0, s14  }
0x10: {  	s18 =	sadd.s32 s3, s22;
	s20 =	sadd.s32 s3, s7;
	s12 =	sadd.s32 s3, s12  }
0x11: {  	s15 =	sadd.s32 s3, s15;
	s22 =	smul.u32 $0x50, s21;
	s14 =	sadd.s32 s3, s23  }
0x12: {  	s23 =	sadd.s32 s3, s24;
	s24 =	sadd.s32 s3, s26;
	s7 =	sadd.s32 $0x1D000, s1  }
0x13: {  	s1 =	sadd.s32 $0x77A00, s1;
	s9 =	sadd.s32 s9, s2;
	s26 =	smul.u32 $0xA000, s13  }
0x14: {  	s13 =	smul.u32 $0xA000, s16;
	s0 =	smax.u32 s0, $0x1;
	[dreg:$0x5] =	wrdreg s9  }
0x15: {  	s9 =	sshll.u32 s18, $0x4;
	s18 =	smul.u32 $0xA000, s11;
	s3 =	sadd.s32 s3, s22  }
0x16: {  	[dreg:$0x4] =	wrdreg s0;
	s22 =	sshll.u32 s25, $0x6;
	s0 =	sshrl.u32 s10, $0x2  }
0x17: {  	s16 =	smul.u32 $0xA000, s17;
	s25 =	sor.u32 $0x1C07, s22;
	s0 =	sadd.s32 s0, s2  }
0x18: {  	s10 =	sshrl.u32 s18, $0x2;
	s22 =	sshrl.u32 s19, $0x2;
	[dreg:$0x7] =	wrdreg s0  }
0x19: {  	s0 =	sshll.u32 s20, $0x4;
	s10 =	sadd.s32 s10, s2;
	s20 =	smul.u32 $0xA000, s21  }
0x1a: {  	s21 =	sshll.u32 s14, $0x4;
	s14 =	sadd.s32 s22, s2;
	[dreg:$0x8] =	wrdreg s10  }
0x1b: {  	s17 =	smov.u32 s25;
	s25 =	sadd.s32 s5, s9;
	[dreg:$0xc] =	wrdreg s14  }
0x1c: {  	s30 =	simm.s32 $0x14F80;
	s9 =	sadd.s32 s1, s9;
	[dreg:$0xe] =	wrdreg s25  }
0x1d: {  	s31 =	simm.s32 $0x6;
	s11 =	sshrl.u32 s26, $0x2;
	[dreg:$0xf] =	wrdreg s9  }
0x1e: {  	s8 =	sadd.s32 s8, s4;
	s10 =	sadd.s32 s11, s2;
	[dreg:$0x6] =	wrdreg s17  }
0x1f: {  	s12 =	sshll.u32 s12, $0x4;
	s26 =	sadd.s32 s5, s0;
	[dreg:$0x9] =	wrdreg s10  }
0x20: {  	s24 =	sshll.u32 s24, $0x4;
	s0 =	sadd.s32 s1, s0;
	[dreg:$0x10] =	wrdreg s26  }
0x21: {  	s18 =	sshll.u32 s15, $0x4;
	s9 =	sadd.s32 s5, s12;
	[dreg:$0x11] =	wrdreg s0  }
0x22: {  	s3 =	sshll.u32 s3, $0x4;
	s19 =	sadd.s32 s5, s21;
	[dreg:$0x12] =	wrdreg s9  }
0x23: {  	s11 =	sshrl.u32 s13, $0x2;
	s25 =	sadd.s32 s1, s3;
	[dreg:$0x16] =	wrdreg s19  }
0x24: {  	s13 =	simm.s32 $0x13A80;
	s11 =	sadd.s32 s11, s2;
	[dreg:$0x1c] =	wrdreg s25  }
0x25: {  	s10 =	sshrl.u32 s16, $0x2;
	s16 =	sadd.s32 s5, s18;
	[dreg:$0xa] =	wrdreg s11  }
0x26: {  	s14 =	simm.s32 $0x14E80;
	s18 =	sadd.s32 s1, s18;
	[dreg:$0x14] =	wrdreg s16  }
0x27: {  	s26 =	sadd.s32 s5, s3;
	s19 =	simm.s32 $0x13B80;
	[dreg:$0x15] =	wrdreg s18  }
0x28: {  	s25 =	simm.s32 $0x14F00;
	s10 =	sadd.s32 s10, s2;
	[dreg:$0x1d] =	wrdreg s26  }
0x29: {  	s0 =	simm.s32 $0x14D80;
	s9 =	simm.s32 $0x16200;
	[dreg:$0xb] =	wrdreg s10  }
0x2a: {  	s10 =	sshll.u32 s23, $0x4;
	s23 =	sshrl.u32 s20, $0x2;
	s20 =	sadd.s32 s1, s21  }
0x2b: {  	s16 =	simm.s32 $0x16280;
	s15 =	sadd.s32 s23, s2;
	[dreg:$0x17] =	wrdreg s20  }
0x2c: {  	s18 =	simm.s32 $0x19680;
	s21 =	sadd.s32 s5, s10;
	[dreg:$0xd] =	wrdreg s15  }
0x2d: {  	s26 =	simm.s32 $0x5;
	s22 =	sadd.s32 s1, s10;
	[dreg:$0x18] =	wrdreg s21  }
0x2e: {  	s23 =	sadd.s32 s5, s24;
	s24 =	sadd.s32 s1, s24;
	[dreg:$0x19] =	wrdreg s22  }
0x2f: {  	s20 =	simm.s32 $0x1CA80;
	s15 =	sadd.s32 s1, s12;
	[dreg:$0x1a] =	wrdreg s23  }
0x30: {  	[dreg:$0x1b] =	wrdreg s24;
	s12 =	simm.s32 $0x7;
	s21 =	simm.s32 $0x1  }
0x31: {  	s22 =	simm.s32 $0x4;
	s23 =	simm.s32 $0x13C00;
	s24 =	simm.s32 $0x2  }
0x32: {  	s1 =	simm.s32 $0x16180;
	[dreg:$0x13] =	wrdreg s15;
	s15 =	simm.s32 $0x64  }
.LBB2_1:
0x33: {  	s3 =	rddreg [dreg:$0x5]  }
0x34: {  	s11 =	rddreg [dreg:$0xe];
	s10 =	sshrl.u32 s3, $0x3  }
0x35: {  	[dreg:$0x1e] =	wrdreg s10  }
0x36: {  	[spmem:s10], [sflag:s17] =	dma.local [hbm:s11], $0x500  }
0x37: {  	_ =	swait.ge [sflag:s12], $0x500  }
0x38: {  	s11 =	rddreg [dreg:$0x7]  }
0x39: {  	[sflag:s12] =	ssyncset.done $0x0;
	s3 =	sshrl.u32 s11, $0x3;
	s11 =	rddreg [dreg:$0x10]  }
0x3a: {  	[sflag:s12] =	ssyncadd.s32 $0xFFFFFB00;
	[dreg:$0x1f] =	wrdreg s3  }
0x3b: {  	[spmem:s3], [sflag:s17] =	dma.local [hbm:s11], $0x500  }
0x3c: {  	_ =	swait.ge [sflag:s12], $0x500  }
0x3d: {  	s11 =	rddreg [dreg:$0x8]  }
0x3e: {  	[sflag:s12] =	ssyncset.done $0x0;
	s3 =	sshrl.u32 s11, $0x3;
	s11 =	rddreg [dreg:$0x12]  }
0x3f: {  	[sflag:s12] =	ssyncadd.s32 $0xFFFFFB00;
	[smem:$0x7F8] =	sst s3  }
0x40: {  	[spmem:s3], [sflag:s17] =	dma.local [hbm:s11], $0x500  }
0x41: {  	_ =	swait.ge [sflag:s12], $0x500  }
0x42: {  	s11 =	rddreg [dreg:$0x9]  }
0x43: {  	[sflag:s12] =	ssyncset.done $0x0;
	s3 =	sshrl.u32 s11, $0x3;
	s11 =	rddreg [dreg:$0x14]  }
0x44: {  	[sflag:s12] =	ssyncadd.s32 $0xFFFFFB00;
	[smem:$0x7F9] =	sst s3  }
0x45: {  	[spmem:s3], [sflag:s17] =	dma.local [hbm:s11], $0x500  }
0x46: {  	_ =	swait.ge [sflag:s12], $0x500  }
0x47: {  	s11 =	rddreg [dreg:$0xa]  }
0x48: {  	[sflag:s12] =	ssyncset.done $0x0;
	s3 =	sshrl.u32 s11, $0x3;
	s11 =	rddreg [dreg:$0x16]  }
0x49: {  	[sflag:s12] =	ssyncadd.s32 $0xFFFFFB00;
	[smem:$0x7FA] =	sst s3  }
0x4a: {  	[spmem:s3], [sflag:s17] =	dma.local [hbm:s11], $0x500  }
0x4b: {  	_ =	swait.ge [sflag:s12], $0x500  }
0x4c: {  	s11 =	rddreg [dreg:$0xb]  }
0x4d: {  	[sflag:s12] =	ssyncset.done $0x0;
	s3 =	sshrl.u32 s11, $0x3;
	s11 =	rddreg [dreg:$0x18]  }
0x4e: {  	[sflag:s12] =	ssyncadd.s32 $0xFFFFFB00;
	[smem:$0x7FB] =	sst s3  }
0x4f: {  	[spmem:s3], [sflag:s17] =	dma.local [hbm:s11], $0x500  }
0x50: {  	_ =	swait.ge [sflag:s12], $0x500  }
0x51: {  	s11 =	rddreg [dreg:$0xc]  }
0x52: {  	[sflag:s12] =	ssyncset.done $0x0;
	s3 =	sshrl.u32 s11, $0x3;
	s11 =	rddreg [dreg:$0x1a]  }
0x53: {  	[sflag:s12] =	ssyncadd.s32 $0xFFFFFB00;
	[smem:$0x7FC] =	sst s3  }
0x54: {  	[spmem:s3], [sflag:s17] =	dma.local [hbm:s11], $0x500  }
0x55: {  	_ =	swait.ge [sflag:s12], $0x500  }
0x56: {  	s3 =	rddreg [dreg:$0xd]  }
0x57: {  	[sflag:s12] =	ssyncset.done $0x0;
	s10 =	sshrl.u32 @!p0 s3, $0x3;
	s3 =	rddreg [dreg:$0x1d]  }
0x58: {  	[sflag:s12] =	ssyncadd.s32 $0xFFFFFB00;
	[smem:$0x7FD] =	sst s10  }
0x59: {  	[spmem:s10], [sflag:s17] =	dma.local @!p0 [hbm:s3], $0x500  }
0x5a: {  	s3 =	simm.s32 @!p0 $0x7  }
0x5b: {  	_ =	swait.ge @!p0 [sflag:s3], $0x500  }
0x5c: {  	[sflag:s3] =	ssyncset.done @!p0 $0x0  }
0x5d: {  	[sflag:s3] =	ssyncadd.s32 @!p0 $0xFFFFFB00  }
0x5e: {  	s10 =	simm.s32 $0x0;
	[bflag:$0x0] =	sbarrier.arrive $0xFFFF  }
.LBB2_2:
0x5f: {  	s3 =	smul.u32 $0x1400, s10;
	_ =	sdelay $0x1  }
0x60: {  	s11 =	sadd.s32 s8, s3  }
0x61: {  	s11 =	sshrl.u32 s11, $0x3  }
0x62: {  	s17 =	simm.s32 $0x0;
	s11 =	sadd.s32 s6, s11  }
0x63: {  	[tilespmem:s13], [sflag:$0x7] =	stream.linear.gather [hbm4b:s11+s17], $0x1400, $0x38;
	[tilespmem:$0x1FE80] =	vst v63  }
0x64: {  	s3 =	sadd.s32 s4, s3;
	_ =	swait.ge [sflag:s12], $0x1400  }
0x65: {  	s3 =	sshrl.u32 s3, $0x3;
	[sflag:s12] =	ssyncset.done $0x0  }
0x66: {  	s3 =	sadd.s32 s7, s3;
	[sflag:s12] =	ssyncadd.s32 $0xFFFFEC00  }
0x67: {  	[tilespmem:s14], [sflag:$0x7] =	stream.linear.gather [hbm4b:s3+s17], $0x1400, $0x38;
	[tilespmem:$0x1FE80] =	vst v63  }
0x68: {  	_ =	swait.ge [sflag:s12], $0x1400  }
0x69: {  	[sflag:s12] =	ssyncset.done $0x0  }
0x6a: {  	[sflag:s12] =	ssyncadd.s32 $0xFFFFEC00  }
0x6b: {  	[tilespmem:s16], [sflag:$0x1] =	stream.indirect.gather [hbm4b:s5+s15], $0x80, s13, s15, $0xb8;
	[tilespmem:$0x1FE80] =	vst v63  }
0x6c: {  	s11 =	simm.s32 $0x13B00  }
0x6d: {  	[tilespmem:s18], [sflag:$0x2] =	stream.indirect.gather [hbm4b:s5+s15], $0x80, s11, s15, $0xb8;
	[tilespmem:$0x1FE80] =	vst v63  }
0x6e: {  	_ = 	snop  }
0x6f: {  	[tilespmem:s20], [sflag:$0x3] =	stream.indirect.gather [hbm4b:s5+s15], $0x80, s19, s15, $0xb8;
	[tilespmem:$0x1FE80] =	vst v63  }
0x70: {  	_ =	swait.ge [sflag:s21], $0x3200  }
0x71: {  	[sflag:s21] =	ssyncset.done $0x0  }
0x72: {  	[sflag:s21] =	ssyncadd.s32 $0xFFFFCE00  }
0x73: {  	[spmem:s2] =	stream.indirect.scatter.add.f32 [tilespmem:s16], [sflag:$0x4], $0x80, s14, s15, $0xb8;
	[tilespmem:$0x1FE80] =	vst v63  }
0x74: {  	_ =	swait.ge [sflag:s22], $0x3200  }
0x75: {  	[sflag:s22] =	ssyncset.done $0x0  }
0x76: {  	[sflag:s22] =	ssyncadd.s32 $0xFFFFCE00  }
0x77: {  	[tilespmem:s16], [sflag:$0x1] =	stream.indirect.gather [hbm4b:s5+s15], $0x80, s23, s15, $0xb8;
	[tilespmem:$0x1FE80] =	vst v63  }
0x78: {  	_ =	swait.ge [sflag:s24], $0x3200  }
0x79: {  	[sflag:s24] =	ssyncset.done $0x0  }
0x7a: {  	[sflag:s24] =	ssyncadd.s32 $0xFFFFCE00  }
0x7b: {  	[spmem:s2] =	stream.indirect.scatter.add.f32 [tilespmem:s18], [sflag:$0x5], $0x80, s25, s15, $0xb8;
	[tilespmem:$0x1FE80] =	vst v63  }
0x7c: {  	_ =	swait.ge [sflag:s26], $0x3200  }
0x7d: {  	[sflag:s26] =	ssyncset.done $0x0  }
0x7e: {  	[sflag:s26] =	ssyncadd.s32 $0xFFFFCE00  }
0x7f: {  	[tilespmem:s18], [sflag:$0x2] =	stream.indirect.gather [hbm4b:s5+s15], $0x80, s28, s15, $0xb8;
	[tilespmem:$0x1FE80] =	vst v63  }
0x80: {  	_ =	swait.ge [sflag:s29], $0x3200  }
0x81: {  	[sflag:s29] =	ssyncset.done $0x0  }
0x82: {  	[sflag:s29] =	ssyncadd.s32 $0xFFFFCE00  }
0x83: {  	[spmem:s2] =	stream.indirect.scatter.add.f32 [tilespmem:s20], [sflag:$0x6], $0x80, s30, s15, $0xb8;
	[tilespmem:$0x1FE80] =	vst v63  }
0x84: {  	_ =	swait.ge [sflag:s31], $0x3200  }
0x85: {  	[sflag:s31] =	ssyncset.done $0x0  }
0x86: {  	s17 =	simm.s32 $0x13D00;
	[sflag:s31] =	ssyncadd.s32 $0xFFFFCE00  }
0x87: {  	[tilespmem:s20], [sflag:$0x3] =	stream.indirect.gather [hbm4b:s5+s15], $0x80, s17, s15, $0xb8;
	[tilespmem:$0x1FE80] =	vst v63  }
0x88: {  	_ =	swait.ge [sflag:s21], $0x3200  }
0x89: {  	[sflag:s21] =	ssyncset.done $0x0  }
0x8a: {  	s11 =	simm.s32 $0x15000;
	[sflag:s21] =	ssyncadd.s32 $0xFFFFCE00  }
0x8b: {  	[spmem:s2] =	stream.indirect.scatter.add.f32 [tilespmem:s16], [sflag:$0x4], $0x80, s11, s15, $0xb8;
	[tilespmem:$0x1FE80] =	vst v63  }
0x8c: {  	_ =	swait.ge [sflag:s22], $0x3200  }
0x8d: {  	[sflag:s22] =	ssyncset.done $0x0  }
0x8e: {  	s17 =	simm.s32 $0x13D80;
	[sflag:s22] =	ssyncadd.s32 $0xFFFFCE00  }
0x8f: {  	[tilespmem:s16], [sflag:$0x1] =	stream.indirect.gather [hbm4b:s5+s15], $0x80, s17, s15, $0xb8;
	[tilespmem:$0x1FE80] =	vst v63  }
0x90: {  	_ =	swait.ge [sflag:s24], $0x3200  }
0x91: {  	[sflag:s24] =	ssyncset.done $0x0  }
0x92: {  	s11 =	simm.s32 $0x15080;
	[sflag:s24] =	ssyncadd.s32 $0xFFFFCE00  }
0x93: {  	[spmem:s2] =	stream.indirect.scatter.add.f32 [tilespmem:s18], [sflag:$0x5], $0x80, s11, s15, $0xb8;
	[tilespmem:$0x1FE80] =	vst v63  }
0x94: {  	_ =	swait.ge [sflag:s26], $0x3200  }
0x95: {  	[sflag:s26] =	ssyncset.done $0x0  }
0x96: {  	s17 =	simm.s32 $0x13E00;
	[sflag:s26] =	ssyncadd.s32 $0xFFFFCE00  }
0x97: {  	[tilespmem:s18], [sflag:$0x2] =	stream.indirect.gather [hbm4b:s5+s15], $0x80, s17, s15, $0xb8;
	[tilespmem:$0x1FE80] =	vst v63  }
0x98: {  	_ =	swait.ge [sflag:s29], $0x3200  }
0x99: {  	[sflag:s29] =	ssyncset.done $0x0  }
0x9a: {  	s3 =	simm.s32 $0x600;
	s11 =	simm.s32 $0x15100;
	[sflag:s29] =	ssyncadd.s32 $0xFFFFCE00  }
.LBB2_3:
0x9b: {  	[spmem:s2] =	stream.indirect.scatter.add.f32 [tilespmem:s20], [sflag:$0x6], $0x80, s11, s15, $0xb8;
	[tilespmem:$0x1FE80] =	vst v63  }
0x9c: {  	s11 =	smov.u32 s3;
	s3 =	sadd.s32 $0x600, s3;
	_ =	swait.ge [sflag:s31], $0x3200  }
0x9d: {  	s11 =	sshra.s32 s11, $0x2;
	p1 =	sne.s32 s3, $0x4200;
	[sflag:s31] =	ssyncset.done $0x0  }
0x9e: {  	s17 =	sadd.s32 $0x13D00, s11;
	[sflag:s31] =	ssyncadd.s32 $0xFFFFCE00  }
0x9f: {  	[tilespmem:s20], [sflag:$0x3] =	stream.indirect.gather [hbm4b:s5+s15], $0x80, s17, s15, $0xb8;
	[tilespmem:$0x1FE80] =	vst v63  }
0xa0: {  	_ =	swait.ge [sflag:s21], $0x3200  }
0xa1: {  	[sflag:s21] =	ssyncset.done $0x0  }
0xa2: {  	s17 =	sadd.s32 $0x15000, s11;
	[sflag:s21] =	ssyncadd.s32 $0xFFFFCE00  }
0xa3: {  	[spmem:s2] =	stream.indirect.scatter.add.f32 [tilespmem:s16], [sflag:$0x4], $0x80, s17, s15, $0xb8;
	[tilespmem:$0x1FE80] =	vst v63  }
0xa4: {  	_ =	swait.ge [sflag:s22], $0x3200  }
0xa5: {  	[sflag:s22] =	ssyncset.done $0x0  }
0xa6: {  	s17 =	sadd.s32 $0x13D80, s11;
	[sflag:s22] =	ssyncadd.s32 $0xFFFFCE00  }
0xa7: {  	[tilespmem:s16], [sflag:$0x1] =	stream.indirect.gather [hbm4b:s5+s15], $0x80, s17, s15, $0xb8;
	[tilespmem:$0x1FE80] =	vst v63  }
0xa8: {  	_ =	swait.ge [sflag:s24], $0x3200  }
0xa9: {  	[sflag:s24] =	ssyncset.done $0x0  }
0xaa: {  	s17 =	sadd.s32 $0x15080, s11;
	[sflag:s24] =	ssyncadd.s32 $0xFFFFCE00  }
0xab: {  	[spmem:s2] =	stream.indirect.scatter.add.f32 [tilespmem:s18], [sflag:$0x5], $0x80, s17, s15, $0xb8;
	[tilespmem:$0x1FE80] =	vst v63  }
0xac: {  	_ =	swait.ge [sflag:s26], $0x3200  }
0xad: {  	[sflag:s26] =	ssyncset.done $0x0  }
.Ltmp0:
0xae: {  	s17 =	sadd.s32 $0x13E00, s11;
	[sflag:s26] =	ssyncadd.s32 $0xFFFFCE00;
	(pc) =	sbr.rel @p1 .LBB2_3-.Ltmp0, $4  }
0xaf: {  	[tilespmem:s18], [sflag:$0x2] =	stream.indirect.gather [hbm4b:s5+s15], $0x80, s17, s15, $0xb8;
	[tilespmem:$0x1FE80] =	vst v63  }
0xb0: {  	_ =	swait.ge [sflag:s29], $0x3200  }
0xb1: {  	[sflag:s29] =	ssyncset.done $0x0  }
0xb2: {  	s11 =	sadd.s32 $0x15100, s11;
	[sflag:s29] =	ssyncadd.s32 $0xFFFFCE00  }
0xb3: {  	[spmem:s2] =	stream.indirect.scatter.add.f32 [tilespmem:s20], [sflag:$0x6], $0x80, s11, s15, $0xb8;
	[tilespmem:$0x1FE80] =	vst v63  }
0xb4: {  	_ =	swait.ge [sflag:s31], $0x3200  }
0xb5: {  	[sflag:s31] =	ssyncset.done $0x0  }
0xb6: {  	[sflag:s31] =	ssyncadd.s32 $0xFFFFCE00  }
0xb7: {  	[tilespmem:s20], [sflag:$0x3] =	stream.indirect.gather [hbm4b:s5+s15], $0x80, s0, s15, $0xb8;
	[tilespmem:$0x1FE80] =	vst v63  }
0xb8: {  	_ =	swait.ge [sflag:s21], $0x3200  }
0xb9: {  	s3 =	sshra.s32 s3, $0x2;
	[sflag:s21] =	ssyncset.done $0x0  }
0xba: {  	s17 =	sadd.s32 $0x15000, s3;
	[sflag:s21] =	ssyncadd.s32 $0xFFFFCE00  }
0xbb: {  	[spmem:s2] =	stream.indirect.scatter.add.f32 [tilespmem:s16], [sflag:$0x4], $0x80, s17, s15, $0xb8;
	[tilespmem:$0x1FE80] =	vst v63  }
0xbc: {  	_ =	swait.ge [sflag:s22], $0x3200  }
0xbd: {  	[sflag:s22] =	ssyncset.done $0x0  }
0xbe: {  	s17 =	sadd.s32 $0x13D80, s3;
	[sflag:s22] =	ssyncadd.s32 $0xFFFFCE00  }
0xbf: {  	[tilespmem:s16], [sflag:$0x1] =	stream.indirect.gather [hbm4b:s5+s15], $0x80, s17, s15, $0xb8;
	[tilespmem:$0x1FE80] =	vst v63  }
0xc0: {  	_ =	swait.ge [sflag:s24], $0x3200  }
0xc1: {  	[sflag:s24] =	ssyncset.done $0x0  }
0xc2: {  	s3 =	sadd.s32 $0x15080, s3;
	[sflag:s24] =	ssyncadd.s32 $0xFFFFCE00  }
0xc3: {  	[spmem:s2] =	stream.indirect.scatter.add.f32 [tilespmem:s18], [sflag:$0x5], $0x80, s3, s15, $0xb8;
	[tilespmem:$0x1FE80] =	vst v63  }
0xc4: {  	_ =	swait.ge [sflag:s29], $0x3200  }
0xc5: {  	[sflag:s29] =	ssyncset.done $0x0  }
0xc6: {  	[sflag:s29] =	ssyncadd.s32 $0xFFFFCE00  }
0xc7: {  	[spmem:s2] =	stream.indirect.scatter.add.f32 [tilespmem:s20], [sflag:$0x6], $0x80, s1, s15, $0xb8;
	[tilespmem:$0x1FE80] =	vst v63  }
0xc8: {  	_ =	swait.ge [sflag:s21], $0x3200  }
0xc9: {  	[sflag:s21] =	ssyncset.done $0x0  }
0xca: {  	[sflag:s21] =	ssyncadd.s32 $0xFFFFCE00  }
0xcb: {  	[spmem:s2] =	stream.indirect.scatter.add.f32 [tilespmem:s16], [sflag:$0x4], $0x80, s9, s15, $0xb8;
	[tilespmem:$0x1FE80] =	vst v63  }
0xcc: {  	_ =	swait.ge [sflag:s22], $0x3200  }
0xcd: {  	[sflag:s22] =	ssyncset.done $0x0  }
0xce: {  	s10 =	sadd.s32 $0x1, s10;
	[sflag:s22] =	ssyncadd.s32 $0xFFFFCE00  }
0xcf: {  	p1 =	sne.s32 s10, $0x5;
	_ =	swait.ge [sflag:s26], $0x3200  }
.Ltmp1:
0xd0: {  	[sflag:s26] =	ssyncset.done $0x0;
	(pc) =	sbr.rel @p1 .LBB2_2-.Ltmp1, $4  }
0xd1: {  	[sflag:s26] =	ssyncadd.s32 $0xFFFFCE00  }
0xd2: {  	_ =	swait.ge [sflag:s31], $0x3200  }
0xd3: {  	[sflag:s31] =	ssyncset.done $0x0  }
0xd4: {  	[sflag:s31] =	ssyncadd.s32 $0xFFFFCE00  }
0xd5: {  	[bflag:$0x0] =	sbarrier.arrive $0xFFFF  }
0xd6: {  	s17 =	rddreg [dreg:$0x6]  }
0xd7: {  	s3 =	rddreg [dreg:$0xf]  }
0xd8: {  	s10 =	rddreg [dreg:$0x1e]  }
0xd9: {  	[hbm:s3], [sflag:s17] =	dma.local [spmem:s10], $0x500  }
0xda: {  	_ =	swait.ge [sflag:s12], $0x500  }
0xdb: {  	[sflag:s12] =	ssyncset.done $0x0;
	s10 =	rddreg [dreg:$0x11]  }
0xdc: {  	s11 =	rddreg [dreg:$0x1f];
	[sflag:s12] =	ssyncadd.s32 $0xFFFFFB00  }
0xdd: {  	[hbm:s10], [sflag:s17] =	dma.local [spmem:s11], $0x500  }
0xde: {  	_ =	swait.ge [sflag:s12], $0x500  }
0xdf: {  	s11 =	sld [smem:$0x7F8]  }
0xe0: {  	[sflag:s12] =	ssyncset.done $0x0  }
0xe1: {  	s10 =	rddreg [dreg:$0x13];
	[sflag:s12] =	ssyncadd.s32 $0xFFFFFB00  }
0xe2: {  	[hbm:s10], [sflag:s17] =	dma.local [spmem:s11], $0x500  }
0xe3: {  	_ =	swait.ge [sflag:s12], $0x500  }
0xe4: {  	s11 =	sld [smem:$0x7F9]  }
0xe5: {  	[sflag:s12] =	ssyncset.done $0x0  }
0xe6: {  	s10 =	rddreg [dreg:$0x15];
	[sflag:s12] =	ssyncadd.s32 $0xFFFFFB00  }
0xe7: {  	[hbm:s10], [sflag:s17] =	dma.local [spmem:s11], $0x500  }
0xe8: {  	_ =	swait.ge [sflag:s12], $0x500  }
0xe9: {  	s11 =	sld [smem:$0x7FA]  }
0xea: {  	[sflag:s12] =	ssyncset.done $0x0  }
0xeb: {  	s10 =	rddreg [dreg:$0x17];
	[sflag:s12] =	ssyncadd.s32 $0xFFFFFB00  }
0xec: {  	[hbm:s10], [sflag:s17] =	dma.local [spmem:s11], $0x500  }
0xed: {  	_ =	swait.ge [sflag:s12], $0x500  }
0xee: {  	s11 =	sld [smem:$0x7FB]  }
0xef: {  	[sflag:s12] =	ssyncset.done $0x0  }
0xf0: {  	s10 =	rddreg [dreg:$0x19];
	[sflag:s12] =	ssyncadd.s32 $0xFFFFFB00  }
0xf1: {  	[hbm:s10], [sflag:s17] =	dma.local [spmem:s11], $0x500  }
0xf2: {  	_ =	swait.ge [sflag:s12], $0x500  }
0xf3: {  	s11 =	sld [smem:$0x7FC]  }
0xf4: {  	[sflag:s12] =	ssyncset.done $0x0  }
0xf5: {  	s10 =	rddreg [dreg:$0x1b];
	[sflag:s12] =	ssyncadd.s32 $0xFFFFFB00  }
0xf6: {  	[hbm:s10], [sflag:s17] =	dma.local [spmem:s11], $0x500  }
0xf7: {  	_ =	swait.ge [sflag:s12], $0x500  }
0xf8: {  	s10 =	sld [smem:$0x7FD]  }
0xf9: {  	[sflag:s12] =	ssyncset.done $0x0  }
0xfa: {  	s3 =	rddreg [dreg:$0x1c];
	[sflag:s12] =	ssyncadd.s32 $0xFFFFFB00  }
0xfb: {  	[hbm:s3], [sflag:s17] =	dma.local @!p0 [spmem:s10], $0x500  }
0xfc: {  	s3 =	simm.s32 @!p0 $0x7  }
0xfd: {  	_ =	swait.ge @!p0 [sflag:s3], $0x500  }
0xfe: {  	s11 =	rddreg [dreg:$0x3]  }
0xff: {  	s10 =	sadd.s32 $0x1, s11;
	s11 =	rddreg [dreg:$0x4]  }
0x100: {  	p1 =	sne.s32 s10, s11  }
.Ltmp2:
0x101: {  	_ = 	snop;
	(pc) =	sbr.rel @p1 .LBB2_1-.Ltmp2, $3  }
0x102: {  	_ =	sdelay $0x1  }
0x103: {  	[sflag:s3] =	ssyncset.done @!p0 $0x0  }
0x104: {  	[sflag:s3] =	ssyncadd.s32 @!p0 $0xFFFFFB00;
	[dreg:$0x3] =	wrdreg s10  }
0x105: {  	_ =	sfence.sel $0x180000  }
0x106: {  	[bflag:$0x0] =	sbarrier.arrive $0xFFFF  }
0x107: {  	_ =	strace $0x9000004A  }
0x108: {  	s0 =	stileid.u32;
	[bflag:$0x2] =	sbarrier.arrive $0xFFFF  }
0x109: {  	p0 =	sne.s32 s0, $0x0;
	s0 =	rddreg [dreg:$0x2]  }
0x10a: {  	s0 =	sadd.s32 @!p0 $0x100000, s0  }
0x10b: {  	[sflag:s0] =	ssyncadd.tile.s32 @!p0 $0x1;
	_ =	shalt  }
.Lfunc_end2:
_tile_overlayer_lowered:
.L_overlay_start_2:
0x10c: {  	(tag) =	ssettag $0x2  }
0x10d: {  	s0 =	rddreg [dreg:$0x0];
	s2 =	stileid.u32  }
0x10e: {  	s1 =	rddreg [dreg:$0x1];
	p0 =	sne.s32 s2, $0x0  }
0x10f: {  	s3 =	rddreg [dreg:$0x2];
	[bflag:$0x3] =	sbarrier.arrive $0xFFFF;
	s2 =	simm.s32 @!p0 $0x1C07  }
0x110: {  	[timem:s3], [sflag:s2] =	dma.local @!p0 [hbm:s0], s1  }
0x111: {  	s0 =	simm.s32 @!p0 $0x7  }
0x112: {  	_ =	swait.ge @!p0 [sflag:s0], s1  }
0x113: {  	s1 =	ssub.s32 @!p0 $0x0, s1;
	[sflag:s0] =	ssyncset.done @!p0 $0x0  }
0x114: {  	[sflag:s0] =	ssyncadd.s32 @!p0 s1  }
0x115: {  	[bflag:$0x3] =	sbarrier.arrive $0xFFFF  }
0x116: {  	_ =	shalt  }

</sc_bundles>
